<compile_context>
chip_gen: v7x
topology: tpu7x:2x2x1
jax: 0.10.2.dev20260603
libtpu: 0.0.44.dev20260713+nightly
codegen_flags: <defaults>
</compile_context>

<pallas_src>
import functools

import jax
import jax.numpy as jnp
from jax import lax
from jax.experimental import pallas as pl
from jax.experimental.pallas import tpu as pltpu
from jax.experimental.pallas import tpu_sc as plsc

WORD_DIM = 64
FEAT_DIM = 32
OUT_DIM = WORD_DIM + FEAT_DIM

NC = 2
NS = 16
NW = NC * NS

STEP = 512
K = 1


def _mesh():
    return plsc.VectorSubcoreMesh(
        core_axis_name="c", subcore_axis_name="s", num_cores=NC, num_subcores=NS)


@functools.partial(jax.jit, static_argnums=(4, 5))
def _lookup_concat_pipelined(word_ids, feat_ids, word_table, feat_table,
                             tpw, nstep):
    n_tokens = NW * tpw
    ngrp = nstep // K

    @functools.partial(
        pl.kernel,
        out_type=jax.ShapeDtypeStruct((n_tokens, OUT_DIM), jnp.float32),
        mesh=_mesh(),
        compiler_params=pltpu.CompilerParams(use_tc_tiling_on_sc=False),
        scratch_types=[
            pltpu.VMEM((nstep, STEP), jnp.int32),
            pltpu.VMEM((nstep, STEP), jnp.int32),
            pltpu.VMEM((2, K, STEP, WORD_DIM), jnp.float32),
            pltpu.VMEM((2, K, STEP, FEAT_DIM), jnp.float32),
            pltpu.SemaphoreType.DMA,
            pltpu.SemaphoreType.DMA,
            pltpu.SemaphoreType.DMA,
            pltpu.SemaphoreType.DMA,
        ],
    )
    def k(word_ids_h, feat_ids_h, word_table_h, feat_table_h, out_h,
          widx, fidx, wbuf, fbuf, gsem0, gsem1, wsem0, wsem1):
        wid = lax.axis_index("s") * NC + lax.axis_index("c")
        base = wid * tpw
        pltpu.sync_copy(word_ids_h.at[wid], widx)
        pltpu.sync_copy(feat_ids_h.at[wid], fidx)
        gsems = (gsem0, gsem1)
        wsems = (wsem0, wsem1)

        def gather_descs(g, s, b):
            i = g * K + b
            return (
                pltpu.make_async_copy(
                    word_table_h.at[widx.at[i]], wbuf.at[s, b], gsems[s]),
                pltpu.make_async_copy(
                    feat_table_h.at[fidx.at[i]], fbuf.at[s, b], gsems[s]),
            )

        def write_descs(g, s, b):
            ob = base + (g * K + b) * STEP
            return (
                pltpu.make_async_copy(
                    wbuf.at[s, b],
                    out_h.at[pl.ds(ob, STEP), pl.ds(0, WORD_DIM)], wsems[s]),
                pltpu.make_async_copy(
                    fbuf.at[s, b],
                    out_h.at[pl.ds(ob, STEP), pl.ds(WORD_DIM, FEAT_DIM)],
                    wsems[s]),
            )

        def fire_gathers(g, s):
            for b in range(K):
                for d in gather_descs(g, s, b):
                    d.start()

        def drain_gathers(g, s):
            for b in range(K):
                for d in gather_descs(g, s, b):
                    d.wait()

        def fire_writes(g, s):
            for b in range(K):
                for d in write_descs(g, s, b):
                    d.start()

        def drain_writes(g, s):
            for b in range(K):
                for d in write_descs(g, s, b):
                    d.wait()

        fire_gathers(0, 0)
        drain_gathers(0, 0)
        fire_gathers(1, 1)
        fire_writes(0, 0)
        drain_gathers(1, 1)
        drain_writes(0, 0)
        fire_gathers(2, 0)
        fire_writes(1, 1)

        def body(t, carry):
            g = 2 * t + 2
            drain_gathers(g, 0)
            drain_writes(g - 1, 1)
            fire_gathers(g + 1, 1)
            fire_writes(g, 0)
            drain_gathers(g + 1, 1)
            drain_writes(g, 0)
            fire_gathers(g + 2, 0)
            fire_writes(g + 1, 1)
            return carry

        lax.fori_loop(0, (ngrp - 4) // 2, body, 0)

        g = ngrp - 2
        drain_gathers(g, 0)
        drain_writes(g - 1, 1)
        fire_gathers(g + 1, 1)
        fire_writes(g, 0)
        drain_gathers(g + 1, 1)
        drain_writes(g, 0)
        fire_writes(g + 1, 1)
        drain_writes(g + 1, 1)

    return k(word_ids, feat_ids, word_table, feat_table)


@functools.partial(jax.jit, static_argnums=(4, 5))
def _lookup_concat_simple(word_ids, feat_ids, word_table, feat_table,
                          tpw, nstep):
    n_tokens = NW * tpw

    @functools.partial(
        pl.kernel,
        out_type=jax.ShapeDtypeStruct((n_tokens, OUT_DIM), jnp.float32),
        mesh=_mesh(),
        compiler_params=pltpu.CompilerParams(use_tc_tiling_on_sc=False),
        scratch_types=[
            pltpu.VMEM((nstep, STEP), jnp.int32),
            pltpu.VMEM((nstep, STEP), jnp.int32),
            pltpu.VMEM((STEP, WORD_DIM), jnp.float32),
            pltpu.VMEM((STEP, FEAT_DIM), jnp.float32),
            pltpu.SemaphoreType.DMA,
            pltpu.SemaphoreType.DMA,
        ],
    )
    def k(word_ids_h, feat_ids_h, word_table_h, feat_table_h, out_h,
          widx, fidx, wbuf, fbuf, gsem, wsem):
        wid = lax.axis_index("s") * NC + lax.axis_index("c")
        base = wid * tpw
        pltpu.sync_copy(word_ids_h.at[wid], widx)
        pltpu.sync_copy(feat_ids_h.at[wid], fidx)

        def body(i, carry):
            g1 = pltpu.async_copy(word_table_h.at[widx.at[i]], wbuf, gsem)
            g2 = pltpu.async_copy(feat_table_h.at[fidx.at[i]], fbuf, gsem)
            g1.wait()
            g2.wait()
            ob = base + i * STEP
            w1 = pltpu.async_copy(
                wbuf, out_h.at[pl.ds(ob, STEP), pl.ds(0, WORD_DIM)], wsem)
            w2 = pltpu.async_copy(
                fbuf, out_h.at[pl.ds(ob, STEP), pl.ds(WORD_DIM, FEAT_DIM)], wsem)
            w1.wait()
            w2.wait()
            return carry

        lax.fori_loop(0, nstep, body, 0)

    return k(word_ids, feat_ids, word_table, feat_table)


def kernel(word_ids, feat_ids, word_table, feat_table):
    b, s = word_ids.shape
    n = b * s
    chunk = NW * STEP
    n_pad = ((n + chunk - 1) // chunk) * chunk
    wids = word_ids.reshape(-1).astype(jnp.int32)
    fids = feat_ids.reshape(-1).astype(jnp.int32)
    if n_pad != n:
        wids = jnp.pad(wids, (0, n_pad - n))
        fids = jnp.pad(fids, (0, n_pad - n))
    tpw = n_pad // NW
    nstep = tpw // STEP
    if nstep % K == 0 and nstep // K >= 4:
        fn = _lookup_concat_pipelined
    else:
        fn = _lookup_concat_simple
    out = fn(
        wids.reshape(NW, nstep, STEP),
        fids.reshape(NW, nstep, STEP),
        word_table, feat_table, tpw, nstep)
    return out[:n].reshape(b, s, OUT_DIM)

# --- scband reference (transcript-rebuilt; emitter-appended) ---
"""Pipeline reference for scband-embeddings-stack-37331855737092 (READ-ONLY COPY).

The authoritative reference and input builder live on the scoring server;
editing this copy changes nothing except your own understanding.
"""

import jax, jax.numpy as jnp
import numpy as np

WORD_VOCAB = 1000000
WORD_DIM = 64
FEAT_VOCAB = 100000
FEAT_DIM = 32
BATCH = 16384
SEQ = 20


def setup_inputs(seed: int = 0) -> dict:
    key = jax.random.key(seed)
    k1, k2, k3, k4 = jax.random.split(key, 4)
    word_ids = jax.random.randint(k1, (BATCH, SEQ), 0, WORD_VOCAB, dtype=jnp.int64) if jax.config.jax_enable_x64 else jax.random.randint(k1, (BATCH, SEQ), 0, WORD_VOCAB, dtype=jnp.int32)
    feat_ids = jax.random.randint(k2, (BATCH, SEQ), 0, FEAT_VOCAB, dtype=jnp.int32)
    word_table = jax.random.normal(k3, (WORD_VOCAB, WORD_DIM), dtype=jnp.float32) * 0.02
    feat_table = jax.random.normal(k4, (FEAT_VOCAB, FEAT_DIM), dtype=jnp.float32) * 0.02
    return {
        "word_ids": word_ids,
        "feat_ids": feat_ids,
        "word_table": word_table,
        "feat_table": feat_table,
    }


def reference(word_ids, feat_ids, word_table, feat_table):
    # EmbeddingsStack.call: look up each feature's embedding, concat on last dim.
    # Dropout rate is 0.0 and TRAIN_FLAG defaults to False -> identity.
    all_embeddings_out = []
    all_embeddings_out.append(jnp.take(word_table, word_ids, axis=0))
    all_embeddings_out.append(jnp.take(feat_table, feat_ids, axis=0))
    word_embeddings = jnp.concatenate(all_embeddings_out, axis=-1)
    return word_embeddings

if __name__ == "__main__":
    import jax
    _d = setup_inputs()
    print(jax.jit(kernel)(*tuple(_d.values())))

</pallas_src>

<mosaic_0001>
#map = affine_map<(d0, d1) -> (0, 0, 0)>
#map1 = affine_map<(d0, d1) -> (0, 0)>
module attributes {stable_mosaic.version = 14 : i64} {
  func.func @k(%arg0: i32, %arg1: i32, %arg2: memref<32x20x512xi32, #tpu.memory_space<hbm>>, %arg3: memref<32x20x512xi32, #tpu.memory_space<hbm>>, %arg4: memref<1000000x64xf32, #tpu.memory_space<hbm>>, %arg5: memref<100000x32xf32, #tpu.memory_space<hbm>>, %arg6: memref<327680x96xf32, #tpu.memory_space<hbm>>, %arg7: memref<20x512xi32, #tpu.memory_space<vmem>>, %arg8: memref<20x512xi32, #tpu.memory_space<vmem>>, %arg9: memref<2x1x512x64xf32, #tpu.memory_space<vmem>>, %arg10: memref<2x1x512x32xf32, #tpu.memory_space<vmem>>, %arg11: memref<!tpu.dma_semaphore, #tpu.memory_space<semaphore_mem>>, %arg12: memref<!tpu.dma_semaphore, #tpu.memory_space<semaphore_mem>>, %arg13: memref<!tpu.dma_semaphore, #tpu.memory_space<semaphore_mem>>, %arg14: memref<!tpu.dma_semaphore, #tpu.memory_space<semaphore_mem>>) attributes {dimension_semantics = [#tpu.dimension_semantics<core_parallel>, #tpu.dimension_semantics<subcore_parallel>], iteration_bounds = array<i64: 2, 16>, scalar_prefetch = 0 : i64, scratch_operands = 8 : i64, tpu.core_type = #tpu.core_type<sc_vector_subcore>, window_params = [{transform_indices = #map}, {transform_indices = #map}, {transform_indices = #map1}, {transform_indices = #map1}, {transform_indices = #map1}]} {
    %mul3A = arith.constant 2 : i32
    %mul3A_0 = arith.muli %arg1, %mul3A : i32
    %add3A = arith.addi %mul3A_0, %arg0 : i32
    %mul3A_1 = arith.constant 10240 : i32
    %mul3A_2 = arith.muli %add3A, %mul3A_1 : i32
    "tpu.region"() ({
      %run_scoped3A = tpu.sem_alloc : memref<!tpu.dma_semaphore, #tpu.memory_space<semaphore_mem>>
      %dma_start3A_454 = arith.constant 0 : i32
      %dma_start3A_455 = arith.constant 0 : i32
      %dma_start3A_456 = tpu.memref_slice %arg2[%add3A, %dma_start3A_454, %dma_start3A_455] : memref<32x20x512xi32, #tpu.memory_space<hbm>> -> memref<1x20x512xi32, #tpu.memory_space<hbm>>
      %dma_start3A_457 = tpu.memref_squeeze %dma_start3A_456 : memref<1x20x512xi32, #tpu.memory_space<hbm>> -> memref<20x512xi32, #tpu.memory_space<hbm>>
      %dma_start3A_458 = arith.constant 0 : i32
      %dma_start3A_459 = arith.constant 0 : i32
      %dma_start3A_460 = tpu.memref_slice %arg2[%add3A, %dma_start3A_458, %dma_start3A_459] : memref<32x20x512xi32, #tpu.memory_space<hbm>> -> memref<1x20x512xi32, #tpu.memory_space<hbm>>
      %dma_start3A_461 = tpu.memref_squeeze %dma_start3A_460 : memref<1x20x512xi32, #tpu.memory_space<hbm>> -> memref<20x512xi32, #tpu.memory_space<hbm>>
      tpu.enqueue_dma source(%dma_start3A_461 : memref<20x512xi32, #tpu.memory_space<hbm>>) target(%arg7 : memref<20x512xi32, #tpu.memory_space<vmem>>) target_semaphore(%run_scoped3A : memref<!tpu.dma_semaphore, #tpu.memory_space<semaphore_mem>>)
      %dma_wait3A_462 = arith.constant 0 : i32
      %dma_wait3A_463 = arith.constant 0 : i32
      %dma_wait3A_464 = tpu.memref_slice %arg2[%add3A, %dma_wait3A_462, %dma_wait3A_463] : memref<32x20x512xi32, #tpu.memory_space<hbm>> -> memref<1x20x512xi32, #tpu.memory_space<hbm>>
      %dma_wait3A_465 = tpu.memref_squeeze %dma_wait3A_464 : memref<1x20x512xi32, #tpu.memory_space<hbm>> -> memref<20x512xi32, #tpu.memory_space<hbm>>
      %dma_wait3A_466 = arith.constant 0 : i32
      %dma_wait3A_467 = arith.constant 0 : i32
      %dma_wait3A_468 = tpu.memref_slice %arg2[%add3A, %dma_wait3A_466, %dma_wait3A_467] : memref<32x20x512xi32, #tpu.memory_space<hbm>> -> memref<1x20x512xi32, #tpu.memory_space<hbm>>
      %dma_wait3A_469 = tpu.memref_squeeze %dma_wait3A_468 : memref<1x20x512xi32, #tpu.memory_space<hbm>> -> memref<20x512xi32, #tpu.memory_space<hbm>>
      tpu.wait_dma2 semaphore(%run_scoped3A : memref<!tpu.dma_semaphore, #tpu.memory_space<semaphore_mem>>) src(%dma_wait3A_469 : memref<20x512xi32, #tpu.memory_space<hbm>>) dst(%arg7 : memref<20x512xi32, #tpu.memory_space<vmem>>)
      tpu.yield
    }) : () -> ()
    "tpu.region"() ({
      %run_scoped3A = tpu.sem_alloc : memref<!tpu.dma_semaphore, #tpu.memory_space<semaphore_mem>>
      %dma_start3A_454 = arith.constant 0 : i32
      %dma_start3A_455 = arith.constant 0 : i32
      %dma_start3A_456 = tpu.memref_slice %arg3[%add3A, %dma_start3A_454, %dma_start3A_455] : memref<32x20x512xi32, #tpu.memory_space<hbm>> -> memref<1x20x512xi32, #tpu.memory_space<hbm>>
      %dma_start3A_457 = tpu.memref_squeeze %dma_start3A_456 : memref<1x20x512xi32, #tpu.memory_space<hbm>> -> memref<20x512xi32, #tpu.memory_space<hbm>>
      %dma_start3A_458 = arith.constant 0 : i32
      %dma_start3A_459 = arith.constant 0 : i32
      %dma_start3A_460 = tpu.memref_slice %arg3[%add3A, %dma_start3A_458, %dma_start3A_459] : memref<32x20x512xi32, #tpu.memory_space<hbm>> -> memref<1x20x512xi32, #tpu.memory_space<hbm>>
      %dma_start3A_461 = tpu.memref_squeeze %dma_start3A_460 : memref<1x20x512xi32, #tpu.memory_space<hbm>> -> memref<20x512xi32, #tpu.memory_space<hbm>>
      tpu.enqueue_dma source(%dma_start3A_461 : memref<20x512xi32, #tpu.memory_space<hbm>>) target(%arg8 : memref<20x512xi32, #tpu.memory_space<vmem>>) target_semaphore(%run_scoped3A : memref<!tpu.dma_semaphore, #tpu.memory_space<semaphore_mem>>)
      %dma_wait3A_462 = arith.constant 0 : i32
      %dma_wait3A_463 = arith.constant 0 : i32
      %dma_wait3A_464 = tpu.memref_slice %arg3[%add3A, %dma_wait3A_462, %dma_wait3A_463] : memref<32x20x512xi32, #tpu.memory_space<hbm>> -> memref<1x20x512xi32, #tpu.memory_space<hbm>>
      %dma_wait3A_465 = tpu.memref_squeeze %dma_wait3A_464 : memref<1x20x512xi32, #tpu.memory_space<hbm>> -> memref<20x512xi32, #tpu.memory_space<hbm>>
      %dma_wait3A_466 = arith.constant 0 : i32
      %dma_wait3A_467 = arith.constant 0 : i32
      %dma_wait3A_468 = tpu.memref_slice %arg3[%add3A, %dma_wait3A_466, %dma_wait3A_467] : memref<32x20x512xi32, #tpu.memory_space<hbm>> -> memref<1x20x512xi32, #tpu.memory_space<hbm>>
      %dma_wait3A_469 = tpu.memref_squeeze %dma_wait3A_468 : memref<1x20x512xi32, #tpu.memory_space<hbm>> -> memref<20x512xi32, #tpu.memory_space<hbm>>
      tpu.wait_dma2 semaphore(%run_scoped3A : memref<!tpu.dma_semaphore, #tpu.memory_space<semaphore_mem>>) src(%dma_wait3A_469 : memref<20x512xi32, #tpu.memory_space<hbm>>) dst(%arg8 : memref<20x512xi32, #tpu.memory_space<vmem>>)
      tpu.yield
    }) : () -> ()
    %dma_start3A = arith.constant 0 : i32
    %dma_start3A_3 = arith.constant 0 : i32
    %dma_start3A_4 = arith.constant 0 : i32
    %dma_start3A_5 = arith.constant 0 : i32
    %dma_start3A_6 = arith.constant 0 : i32
    %dma_start3A_7 = tpu.memref_slice %arg9[%dma_start3A_3, %dma_start3A_4, %dma_start3A_5, %dma_start3A_6] : memref<2x1x512x64xf32, #tpu.memory_space<vmem>> -> memref<1x1x512x64xf32, #tpu.memory_space<vmem>>
    %dma_start3A_8 = tpu.memref_squeeze %dma_start3A_7 : memref<1x1x512x64xf32, #tpu.memory_space<vmem>> -> memref<512x64xf32, #tpu.memory_space<vmem>>
    %dma_start3A_9 = arith.constant 0 : i32
    %dma_start3A_10 = tpu.memref_slice %arg7[%dma_start3A, %dma_start3A_9] : memref<20x512xi32, #tpu.memory_space<vmem>> -> memref<1x512xi32, #tpu.memory_space<vmem>>
    %dma_start3A_11 = tpu.memref_squeeze %dma_start3A_10 : memref<1x512xi32, #tpu.memory_space<vmem>> -> memref<512xi32, #tpu.memory_space<vmem>>
    %dma_start3A_12 = arith.constant 0 : i32
    %dma_start3A_13 = arith.constant 0 : i32
    %dma_start3A_14 = tpu.memref_slice %arg4[%dma_start3A_12, %dma_start3A_13] : memref<1000000x64xf32, #tpu.memory_space<hbm>> -> memref<1000000x64xf32, #tpu.memory_space<hbm>>
    tpu.enqueue_indirect_dma source(%dma_start3A_14 : memref<1000000x64xf32, #tpu.memory_space<hbm>>) target(%dma_start3A_8 : memref<512x64xf32, #tpu.memory_space<vmem>>) offsets(%dma_start3A_11 : memref<512xi32, #tpu.memory_space<vmem>>) semaphore(%arg11 : memref<!tpu.dma_semaphore, #tpu.memory_space<semaphore_mem>>)
    %dma_start3A_15 = arith.constant 0 : i32
    %dma_start3A_16 = arith.constant 0 : i32
    %dma_start3A_17 = arith.constant 0 : i32
    %dma_start3A_18 = arith.constant 0 : i32
    %dma_start3A_19 = arith.constant 0 : i32
    %dma_start3A_20 = tpu.memref_slice %arg10[%dma_start3A_16, %dma_start3A_17, %dma_start3A_18, %dma_start3A_19] : memref<2x1x512x32xf32, #tpu.memory_space<vmem>> -> memref<1x1x512x32xf32, #tpu.memory_space<vmem>>
    %dma_start3A_21 = tpu.memref_squeeze %dma_start3A_20 : memref<1x1x512x32xf32, #tpu.memory_space<vmem>> -> memref<512x32xf32, #tpu.memory_space<vmem>>
    %dma_start3A_22 = arith.constant 0 : i32
    %dma_start3A_23 = tpu.memref_slice %arg8[%dma_start3A_15, %dma_start3A_22] : memref<20x512xi32, #tpu.memory_space<vmem>> -> memref<1x512xi32, #tpu.memory_space<vmem>>
    %dma_start3A_24 = tpu.memref_squeeze %dma_start3A_23 : memref<1x512xi32, #tpu.memory_space<vmem>> -> memref<512xi32, #tpu.memory_space<vmem>>
    %dma_start3A_25 = arith.constant 0 : i32
    %dma_start3A_26 = arith.constant 0 : i32
    %dma_start3A_27 = tpu.memref_slice %arg5[%dma_start3A_25, %dma_start3A_26] : memref<100000x32xf32, #tpu.memory_space<hbm>> -> memref<100000x32xf32, #tpu.memory_space<hbm>>
    tpu.enqueue_indirect_dma source(%dma_start3A_27 : memref<100000x32xf32, #tpu.memory_space<hbm>>) target(%dma_start3A_21 : memref<512x32xf32, #tpu.memory_space<vmem>>) offsets(%dma_start3A_24 : memref<512xi32, #tpu.memory_space<vmem>>) semaphore(%arg11 : memref<!tpu.dma_semaphore, #tpu.memory_space<semaphore_mem>>)
    %dma_wait3A = arith.constant 0 : i32
    %dma_wait3A_28 = arith.constant 0 : i32
    %dma_wait3A_29 = arith.constant 0 : i32
    %dma_wait3A_30 = arith.constant 0 : i32
    %dma_wait3A_31 = arith.constant 0 : i32
    %dma_wait3A_32 = tpu.memref_slice %arg9[%dma_wait3A_28, %dma_wait3A_29, %dma_wait3A_30, %dma_wait3A_31] : memref<2x1x512x64xf32, #tpu.memory_space<vmem>> -> memref<1x1x512x64xf32, #tpu.memory_space<vmem>>
    %dma_wait3A_33 = tpu.memref_squeeze %dma_wait3A_32 : memref<1x1x512x64xf32, #tpu.memory_space<vmem>> -> memref<512x64xf32, #tpu.memory_space<vmem>>
    %dma_wait3A_34 = arith.constant 0 : i32
    %dma_wait3A_35 = tpu.memref_slice %arg7[%dma_wait3A, %dma_wait3A_34] : memref<20x512xi32, #tpu.memory_space<vmem>> -> memref<1x512xi32, #tpu.memory_space<vmem>>
    %dma_wait3A_36 = tpu.memref_squeeze %dma_wait3A_35 : memref<1x512xi32, #tpu.memory_space<vmem>> -> memref<512xi32, #tpu.memory_space<vmem>>
    %dma_wait3A_37 = arith.constant 0 : i32
    %dma_wait3A_38 = arith.constant 0 : i32
    %dma_wait3A_39 = tpu.memref_slice %arg4[%dma_wait3A_37, %dma_wait3A_38] : memref<1000000x64xf32, #tpu.memory_space<hbm>> -> memref<1000000x64xf32, #tpu.memory_space<hbm>>
    tpu.wait_indirect_dma semaphore(%arg11 : memref<!tpu.dma_semaphore, #tpu.memory_space<semaphore_mem>>) src(%dma_wait3A_39 : memref<1000000x64xf32, #tpu.memory_space<hbm>>) dst(%dma_wait3A_33 : memref<512x64xf32, #tpu.memory_space<vmem>>)
    %dma_wait3A_40 = arith.constant 0 : i32
    %dma_wait3A_41 = arith.constant 0 : i32
    %dma_wait3A_42 = arith.constant 0 : i32
    %dma_wait3A_43 = arith.constant 0 : i32
    %dma_wait3A_44 = arith.constant 0 : i32
    %dma_wait3A_45 = tpu.memref_slice %arg10[%dma_wait3A_41, %dma_wait3A_42, %dma_wait3A_43, %dma_wait3A_44] : memref<2x1x512x32xf32, #tpu.memory_space<vmem>> -> memref<1x1x512x32xf32, #tpu.memory_space<vmem>>
    %dma_wait3A_46 = tpu.memref_squeeze %dma_wait3A_45 : memref<1x1x512x32xf32, #tpu.memory_space<vmem>> -> memref<512x32xf32, #tpu.memory_space<vmem>>
    %dma_wait3A_47 = arith.constant 0 : i32
    %dma_wait3A_48 = tpu.memref_slice %arg8[%dma_wait3A_40, %dma_wait3A_47] : memref<20x512xi32, #tpu.memory_space<vmem>> -> memref<1x512xi32, #tpu.memory_space<vmem>>
    %dma_wait3A_49 = tpu.memref_squeeze %dma_wait3A_48 : memref<1x512xi32, #tpu.memory_space<vmem>> -> memref<512xi32, #tpu.memory_space<vmem>>
    %dma_wait3A_50 = arith.constant 0 : i32
    %dma_wait3A_51 = arith.constant 0 : i32
    %dma_wait3A_52 = tpu.memref_slice %arg5[%dma_wait3A_50, %dma_wait3A_51] : memref<100000x32xf32, #tpu.memory_space<hbm>> -> memref<100000x32xf32, #tpu.memory_space<hbm>>
    tpu.wait_indirect_dma semaphore(%arg11 : memref<!tpu.dma_semaphore, #tpu.memory_space<semaphore_mem>>) src(%dma_wait3A_52 : memref<100000x32xf32, #tpu.memory_space<hbm>>) dst(%dma_wait3A_46 : memref<512x32xf32, #tpu.memory_space<vmem>>)
    %dma_start3A_53 = arith.constant 1 : i32
    %dma_start3A_54 = arith.constant 1 : i32
    %dma_start3A_55 = arith.constant 0 : i32
    %dma_start3A_56 = arith.constant 0 : i32
    %dma_start3A_57 = arith.constant 0 : i32
    %dma_start3A_58 = tpu.memref_slice %arg9[%dma_start3A_54, %dma_start3A_55, %dma_start3A_56, %dma_start3A_57] : memref<2x1x512x64xf32, #tpu.memory_space<vmem>> -> memref<1x1x512x64xf32, #tpu.memory_space<vmem>>
    %dma_start3A_59 = tpu.memref_squeeze %dma_start3A_58 : memref<1x1x512x64xf32, #tpu.memory_space<vmem>> -> memref<512x64xf32, #tpu.memory_space<vmem>>
    %dma_start3A_60 = arith.constant 0 : i32
    %dma_start3A_61 = tpu.memref_slice %arg7[%dma_start3A_53, %dma_start3A_60] : memref<20x512xi32, #tpu.memory_space<vmem>> -> memref<1x512xi32, #tpu.memory_space<vmem>>
    %dma_start3A_62 = tpu.memref_squeeze %dma_start3A_61 : memref<1x512xi32, #tpu.memory_space<vmem>> -> memref<512xi32, #tpu.memory_space<vmem>>
    %dma_start3A_63 = arith.constant 0 : i32
    %dma_start3A_64 = arith.constant 0 : i32
    %dma_start3A_65 = tpu.memref_slice %arg4[%dma_start3A_63, %dma_start3A_64] : memref<1000000x64xf32, #tpu.memory_space<hbm>> -> memref<1000000x64xf32, #tpu.memory_space<hbm>>
    tpu.enqueue_indirect_dma source(%dma_start3A_65 : memref<1000000x64xf32, #tpu.memory_space<hbm>>) target(%dma_start3A_59 : memref<512x64xf32, #tpu.memory_space<vmem>>) offsets(%dma_start3A_62 : memref<512xi32, #tpu.memory_space<vmem>>) semaphore(%arg12 : memref<!tpu.dma_semaphore, #tpu.memory_space<semaphore_mem>>)
    %dma_start3A_66 = arith.constant 1 : i32
    %dma_start3A_67 = arith.constant 1 : i32
    %dma_start3A_68 = arith.constant 0 : i32
    %dma_start3A_69 = arith.constant 0 : i32
    %dma_start3A_70 = arith.constant 0 : i32
    %dma_start3A_71 = tpu.memref_slice %arg10[%dma_start3A_67, %dma_start3A_68, %dma_start3A_69, %dma_start3A_70] : memref<2x1x512x32xf32, #tpu.memory_space<vmem>> -> memref<1x1x512x32xf32, #tpu.memory_space<vmem>>
    %dma_start3A_72 = tpu.memref_squeeze %dma_start3A_71 : memref<1x1x512x32xf32, #tpu.memory_space<vmem>> -> memref<512x32xf32, #tpu.memory_space<vmem>>
    %dma_start3A_73 = arith.constant 0 : i32
    %dma_start3A_74 = tpu.memref_slice %arg8[%dma_start3A_66, %dma_start3A_73] : memref<20x512xi32, #tpu.memory_space<vmem>> -> memref<1x512xi32, #tpu.memory_space<vmem>>
    %dma_start3A_75 = tpu.memref_squeeze %dma_start3A_74 : memref<1x512xi32, #tpu.memory_space<vmem>> -> memref<512xi32, #tpu.memory_space<vmem>>
    %dma_start3A_76 = arith.constant 0 : i32
    %dma_start3A_77 = arith.constant 0 : i32
    %dma_start3A_78 = tpu.memref_slice %arg5[%dma_start3A_76, %dma_start3A_77] : memref<100000x32xf32, #tpu.memory_space<hbm>> -> memref<100000x32xf32, #tpu.memory_space<hbm>>
    tpu.enqueue_indirect_dma source(%dma_start3A_78 : memref<100000x32xf32, #tpu.memory_space<hbm>>) target(%dma_start3A_72 : memref<512x32xf32, #tpu.memory_space<vmem>>) offsets(%dma_start3A_75 : memref<512xi32, #tpu.memory_space<vmem>>) semaphore(%arg12 : memref<!tpu.dma_semaphore, #tpu.memory_space<semaphore_mem>>)
    %add3A_79 = arith.constant 0 : i32
    %add3A_80 = arith.addi %mul3A_2, %add3A_79 : i32
    %dma_start3A_81 = arith.constant 0 : i32
    %dma_start3A_82 = arith.constant 0 : i32
    %dma_start3A_83 = arith.constant 0 : i32
    %dma_start3A_84 = arith.constant 0 : i32
    %dma_start3A_85 = tpu.memref_slice %arg9[%dma_start3A_81, %dma_start3A_82, %dma_start3A_83, %dma_start3A_84] : memref<2x1x512x64xf32, #tpu.memory_space<vmem>> -> memref<1x1x512x64xf32, #tpu.memory_space<vmem>>
    %dma_start3A_86 = tpu.memref_squeeze %dma_start3A_85 : memref<1x1x512x64xf32, #tpu.memory_space<vmem>> -> memref<512x64xf32, #tpu.memory_space<vmem>>
    %dma_start3A_87 = arith.constant 0 : i32
    %dma_start3A_88 = tpu.memref_slice %arg6[%add3A_80, %dma_start3A_87] : memref<327680x96xf32, #tpu.memory_space<hbm>> -> memref<512x64xf32, #tpu.memory_space<hbm>>
    %dma_start3A_89 = arith.constant 0 : i32
    %dma_start3A_90 = tpu.memref_slice %arg6[%add3A_80, %dma_start3A_89] : memref<327680x96xf32, #tpu.memory_space<hbm>> -> memref<512x64xf32, #tpu.memory_space<hbm>>
    %dma_start3A_91 = arith.constant 0 : i32
    %dma_start3A_92 = arith.constant 0 : i32
    %dma_start3A_93 = tpu.memref_slice %arg9[%dma_start3A_81, %dma_start3A_82, %dma_start3A_91, %dma_start3A_92] : memref<2x1x512x64xf32, #tpu.memory_space<vmem>> -> memref<1x1x512x64xf32, #tpu.memory_space<vmem>>
    %dma_start3A_94 = tpu.memref_squeeze %dma_start3A_93 : memref<1x1x512x64xf32, #tpu.memory_space<vmem>> -> memref<512x64xf32, #tpu.memory_space<vmem>>
    tpu.enqueue_dma source(%dma_start3A_94 : memref<512x64xf32, #tpu.memory_space<vmem>>) target(%dma_start3A_90 : memref<512x64xf32, #tpu.memory_space<hbm>>) target_semaphore(%arg13 : memref<!tpu.dma_semaphore, #tpu.memory_space<semaphore_mem>>)
    %dma_start3A_95 = arith.constant 0 : i32
    %dma_start3A_96 = arith.constant 0 : i32
    %dma_start3A_97 = arith.constant 0 : i32
    %dma_start3A_98 = arith.constant 0 : i32
    %dma_start3A_99 = tpu.memref_slice %arg10[%dma_start3A_95, %dma_start3A_96, %dma_start3A_97, %dma_start3A_98] : memref<2x1x512x32xf32, #tpu.memory_space<vmem>> -> memref<1x1x512x32xf32, #tpu.memory_space<vmem>>
    %dma_start3A_100 = tpu.memref_squeeze %dma_start3A_99 : memref<1x1x512x32xf32, #tpu.memory_space<vmem>> -> memref<512x32xf32, #tpu.memory_space<vmem>>
    %dma_start3A_101 = arith.constant 64 : i32
    %dma_start3A_102 = tpu.memref_slice %arg6[%add3A_80, %dma_start3A_101] : memref<327680x96xf32, #tpu.memory_space<hbm>> -> memref<512x32xf32, #tpu.memory_space<hbm>>
    %dma_start3A_103 = arith.constant 64 : i32
    %dma_start3A_104 = tpu.memref_slice %arg6[%add3A_80, %dma_start3A_103] : memref<327680x96xf32, #tpu.memory_space<hbm>> -> memref<512x32xf32, #tpu.memory_space<hbm>>
    %dma_start3A_105 = arith.constant 0 : i32
    %dma_start3A_106 = arith.constant 0 : i32
    %dma_start3A_107 = tpu.memref_slice %arg10[%dma_start3A_95, %dma_start3A_96, %dma_start3A_105, %dma_start3A_106] : memref<2x1x512x32xf32, #tpu.memory_space<vmem>> -> memref<1x1x512x32xf32, #tpu.memory_space<vmem>>
    %dma_start3A_108 = tpu.memref_squeeze %dma_start3A_107 : memref<1x1x512x32xf32, #tpu.memory_space<vmem>> -> memref<512x32xf32, #tpu.memory_space<vmem>>
    tpu.enqueue_dma source(%dma_start3A_108 : memref<512x32xf32, #tpu.memory_space<vmem>>) target(%dma_start3A_104 : memref<512x32xf32, #tpu.memory_space<hbm>>) target_semaphore(%arg13 : memref<!tpu.dma_semaphore, #tpu.memory_space<semaphore_mem>>)
    %dma_wait3A_109 = arith.constant 1 : i32
    %dma_wait3A_110 = arith.constant 1 : i32
    %dma_wait3A_111 = arith.constant 0 : i32
    %dma_wait3A_112 = arith.constant 0 : i32
    %dma_wait3A_113 = arith.constant 0 : i32
    %dma_wait3A_114 = tpu.memref_slice %arg9[%dma_wait3A_110, %dma_wait3A_111, %dma_wait3A_112, %dma_wait3A_113] : memref<2x1x512x64xf32, #tpu.memory_space<vmem>> -> memref<1x1x512x64xf32, #tpu.memory_space<vmem>>
    %dma_wait3A_115 = tpu.memref_squeeze %dma_wait3A_114 : memref<1x1x512x64xf32, #tpu.memory_space<vmem>> -> memref<512x64xf32, #tpu.memory_space<vmem>>
    %dma_wait3A_116 = arith.constant 0 : i32
    %dma_wait3A_117 = tpu.memref_slice %arg7[%dma_wait3A_109, %dma_wait3A_116] : memref<20x512xi32, #tpu.memory_space<vmem>> -> memref<1x512xi32, #tpu.memory_space<vmem>>
    %dma_wait3A_118 = tpu.memref_squeeze %dma_wait3A_117 : memref<1x512xi32, #tpu.memory_space<vmem>> -> memref<512xi32, #tpu.memory_space<vmem>>
    %dma_wait3A_119 = arith.constant 0 : i32
    %dma_wait3A_120 = arith.constant 0 : i32
    %dma_wait3A_121 = tpu.memref_slice %arg4[%dma_wait3A_119, %dma_wait3A_120] : memref<1000000x64xf32, #tpu.memory_space<hbm>> -> memref<1000000x64xf32, #tpu.memory_space<hbm>>
    tpu.wait_indirect_dma semaphore(%arg12 : memref<!tpu.dma_semaphore, #tpu.memory_space<semaphore_mem>>) src(%dma_wait3A_121 : memref<1000000x64xf32, #tpu.memory_space<hbm>>) dst(%dma_wait3A_115 : memref<512x64xf32, #tpu.memory_space<vmem>>)
    %dma_wait3A_122 = arith.constant 1 : i32
    %dma_wait3A_123 = arith.constant 1 : i32
    %dma_wait3A_124 = arith.constant 0 : i32
    %dma_wait3A_125 = arith.constant 0 : i32
    %dma_wait3A_126 = arith.constant 0 : i32
    %dma_wait3A_127 = tpu.memref_slice %arg10[%dma_wait3A_123, %dma_wait3A_124, %dma_wait3A_125, %dma_wait3A_126] : memref<2x1x512x32xf32, #tpu.memory_space<vmem>> -> memref<1x1x512x32xf32, #tpu.memory_space<vmem>>
    %dma_wait3A_128 = tpu.memref_squeeze %dma_wait3A_127 : memref<1x1x512x32xf32, #tpu.memory_space<vmem>> -> memref<512x32xf32, #tpu.memory_space<vmem>>
    %dma_wait3A_129 = arith.constant 0 : i32
    %dma_wait3A_130 = tpu.memref_slice %arg8[%dma_wait3A_122, %dma_wait3A_129] : memref<20x512xi32, #tpu.memory_space<vmem>> -> memref<1x512xi32, #tpu.memory_space<vmem>>
    %dma_wait3A_131 = tpu.memref_squeeze %dma_wait3A_130 : memref<1x512xi32, #tpu.memory_space<vmem>> -> memref<512xi32, #tpu.memory_space<vmem>>
    %dma_wait3A_132 = arith.constant 0 : i32
    %dma_wait3A_133 = arith.constant 0 : i32
    %dma_wait3A_134 = tpu.memref_slice %arg5[%dma_wait3A_132, %dma_wait3A_133] : memref<100000x32xf32, #tpu.memory_space<hbm>> -> memref<100000x32xf32, #tpu.memory_space<hbm>>
    tpu.wait_indirect_dma semaphore(%arg12 : memref<!tpu.dma_semaphore, #tpu.memory_space<semaphore_mem>>) src(%dma_wait3A_134 : memref<100000x32xf32, #tpu.memory_space<hbm>>) dst(%dma_wait3A_128 : memref<512x32xf32, #tpu.memory_space<vmem>>)
    %add3A_135 = arith.constant 0 : i32
    %add3A_136 = arith.addi %mul3A_2, %add3A_135 : i32
    %dma_wait3A_137 = arith.constant 0 : i32
    %dma_wait3A_138 = arith.constant 0 : i32
    %dma_wait3A_139 = arith.constant 0 : i32
    %dma_wait3A_140 = arith.constant 0 : i32
    %dma_wait3A_141 = tpu.memref_slice %arg9[%dma_wait3A_137, %dma_wait3A_138, %dma_wait3A_139, %dma_wait3A_140] : memref<2x1x512x64xf32, #tpu.memory_space<vmem>> -> memref<1x1x512x64xf32, #tpu.memory_space<vmem>>
    %dma_wait3A_142 = tpu.memref_squeeze %dma_wait3A_141 : memref<1x1x512x64xf32, #tpu.memory_space<vmem>> -> memref<512x64xf32, #tpu.memory_space<vmem>>
    %dma_wait3A_143 = arith.constant 0 : i32
    %dma_wait3A_144 = tpu.memref_slice %arg6[%add3A_136, %dma_wait3A_143] : memref<327680x96xf32, #tpu.memory_space<hbm>> -> memref<512x64xf32, #tpu.memory_space<hbm>>
    %dma_wait3A_145 = arith.constant 0 : i32
    %dma_wait3A_146 = tpu.memref_slice %arg6[%add3A_136, %dma_wait3A_145] : memref<327680x96xf32, #tpu.memory_space<hbm>> -> memref<512x64xf32, #tpu.memory_space<hbm>>
    %dma_wait3A_147 = arith.constant 0 : i32
    %dma_wait3A_148 = arith.constant 0 : i32
    %dma_wait3A_149 = tpu.memref_slice %arg9[%dma_wait3A_137, %dma_wait3A_138, %dma_wait3A_147, %dma_wait3A_148] : memref<2x1x512x64xf32, #tpu.memory_space<vmem>> -> memref<1x1x512x64xf32, #tpu.memory_space<vmem>>
    %dma_wait3A_150 = tpu.memref_squeeze %dma_wait3A_149 : memref<1x1x512x64xf32, #tpu.memory_space<vmem>> -> memref<512x64xf32, #tpu.memory_space<vmem>>
    tpu.wait_dma2 semaphore(%arg13 : memref<!tpu.dma_semaphore, #tpu.memory_space<semaphore_mem>>) src(%dma_wait3A_150 : memref<512x64xf32, #tpu.memory_space<vmem>>) dst(%dma_wait3A_146 : memref<512x64xf32, #tpu.memory_space<hbm>>)
    %dma_wait3A_151 = arith.constant 0 : i32
    %dma_wait3A_152 = arith.constant 0 : i32
    %dma_wait3A_153 = arith.constant 0 : i32
    %dma_wait3A_154 = arith.constant 0 : i32
    %dma_wait3A_155 = tpu.memref_slice %arg10[%dma_wait3A_151, %dma_wait3A_152, %dma_wait3A_153, %dma_wait3A_154] : memref<2x1x512x32xf32, #tpu.memory_space<vmem>> -> memref<1x1x512x32xf32, #tpu.memory_space<vmem>>
    %dma_wait3A_156 = tpu.memref_squeeze %dma_wait3A_155 : memref<1x1x512x32xf32, #tpu.memory_space<vmem>> -> memref<512x32xf32, #tpu.memory_space<vmem>>
    %dma_wait3A_157 = arith.constant 64 : i32
    %dma_wait3A_158 = tpu.memref_slice %arg6[%add3A_136, %dma_wait3A_157] : memref<327680x96xf32, #tpu.memory_space<hbm>> -> memref<512x32xf32, #tpu.memory_space<hbm>>
    %dma_wait3A_159 = arith.constant 64 : i32
    %dma_wait3A_160 = tpu.memref_slice %arg6[%add3A_136, %dma_wait3A_159] : memref<327680x96xf32, #tpu.memory_space<hbm>> -> memref<512x32xf32, #tpu.memory_space<hbm>>
    %dma_wait3A_161 = arith.constant 0 : i32
    %dma_wait3A_162 = arith.constant 0 : i32
    %dma_wait3A_163 = tpu.memref_slice %arg10[%dma_wait3A_151, %dma_wait3A_152, %dma_wait3A_161, %dma_wait3A_162] : memref<2x1x512x32xf32, #tpu.memory_space<vmem>> -> memref<1x1x512x32xf32, #tpu.memory_space<vmem>>
    %dma_wait3A_164 = tpu.memref_squeeze %dma_wait3A_163 : memref<1x1x512x32xf32, #tpu.memory_space<vmem>> -> memref<512x32xf32, #tpu.memory_space<vmem>>
    tpu.wait_dma2 semaphore(%arg13 : memref<!tpu.dma_semaphore, #tpu.memory_space<semaphore_mem>>) src(%dma_wait3A_164 : memref<512x32xf32, #tpu.memory_space<vmem>>) dst(%dma_wait3A_160 : memref<512x32xf32, #tpu.memory_space<hbm>>)
    %dma_start3A_165 = arith.constant 2 : i32
    %dma_start3A_166 = arith.constant 0 : i32
    %dma_start3A_167 = arith.constant 0 : i32
    %dma_start3A_168 = arith.constant 0 : i32
    %dma_start3A_169 = arith.constant 0 : i32
    %dma_start3A_170 = tpu.memref_slice %arg9[%dma_start3A_166, %dma_start3A_167, %dma_start3A_168, %dma_start3A_169] : memref<2x1x512x64xf32, #tpu.memory_space<vmem>> -> memref<1x1x512x64xf32, #tpu.memory_space<vmem>>
    %dma_start3A_171 = tpu.memref_squeeze %dma_start3A_170 : memref<1x1x512x64xf32, #tpu.memory_space<vmem>> -> memref<512x64xf32, #tpu.memory_space<vmem>>
    %dma_start3A_172 = arith.constant 0 : i32
    %dma_start3A_173 = tpu.memref_slice %arg7[%dma_start3A_165, %dma_start3A_172] : memref<20x512xi32, #tpu.memory_space<vmem>> -> memref<1x512xi32, #tpu.memory_space<vmem>>
    %dma_start3A_174 = tpu.memref_squeeze %dma_start3A_173 : memref<1x512xi32, #tpu.memory_space<vmem>> -> memref<512xi32, #tpu.memory_space<vmem>>
    %dma_start3A_175 = arith.constant 0 : i32
    %dma_start3A_176 = arith.constant 0 : i32
    %dma_start3A_177 = tpu.memref_slice %arg4[%dma_start3A_175, %dma_start3A_176] : memref<1000000x64xf32, #tpu.memory_space<hbm>> -> memref<1000000x64xf32, #tpu.memory_space<hbm>>
    tpu.enqueue_indirect_dma source(%dma_start3A_177 : memref<1000000x64xf32, #tpu.memory_space<hbm>>) target(%dma_start3A_171 : memref<512x64xf32, #tpu.memory_space<vmem>>) offsets(%dma_start3A_174 : memref<512xi32, #tpu.memory_space<vmem>>) semaphore(%arg11 : memref<!tpu.dma_semaphore, #tpu.memory_space<semaphore_mem>>)
    %dma_start3A_178 = arith.constant 2 : i32
    %dma_start3A_179 = arith.constant 0 : i32
    %dma_start3A_180 = arith.constant 0 : i32
    %dma_start3A_181 = arith.constant 0 : i32
    %dma_start3A_182 = arith.constant 0 : i32
    %dma_start3A_183 = tpu.memref_slice %arg10[%dma_start3A_179, %dma_start3A_180, %dma_start3A_181, %dma_start3A_182] : memref<2x1x512x32xf32, #tpu.memory_space<vmem>> -> memref<1x1x512x32xf32, #tpu.memory_space<vmem>>
    %dma_start3A_184 = tpu.memref_squeeze %dma_start3A_183 : memref<1x1x512x32xf32, #tpu.memory_space<vmem>> -> memref<512x32xf32, #tpu.memory_space<vmem>>
    %dma_start3A_185 = arith.constant 0 : i32
    %dma_start3A_186 = tpu.memref_slice %arg8[%dma_start3A_178, %dma_start3A_185] : memref<20x512xi32, #tpu.memory_space<vmem>> -> memref<1x512xi32, #tpu.memory_space<vmem>>
    %dma_start3A_187 = tpu.memref_squeeze %dma_start3A_186 : memref<1x512xi32, #tpu.memory_space<vmem>> -> memref<512xi32, #tpu.memory_space<vmem>>
    %dma_start3A_188 = arith.constant 0 : i32
    %dma_start3A_189 = arith.constant 0 : i32
    %dma_start3A_190 = tpu.memref_slice %arg5[%dma_start3A_188, %dma_start3A_189] : memref<100000x32xf32, #tpu.memory_space<hbm>> -> memref<100000x32xf32, #tpu.memory_space<hbm>>
    tpu.enqueue_indirect_dma source(%dma_start3A_190 : memref<100000x32xf32, #tpu.memory_space<hbm>>) target(%dma_start3A_184 : memref<512x32xf32, #tpu.memory_space<vmem>>) offsets(%dma_start3A_187 : memref<512xi32, #tpu.memory_space<vmem>>) semaphore(%arg11 : memref<!tpu.dma_semaphore, #tpu.memory_space<semaphore_mem>>)
    %add3A_191 = arith.constant 512 : i32
    %add3A_192 = arith.addi %mul3A_2, %add3A_191 : i32
    %dma_start3A_193 = arith.constant 1 : i32
    %dma_start3A_194 = arith.constant 0 : i32
    %dma_start3A_195 = arith.constant 0 : i32
    %dma_start3A_196 = arith.constant 0 : i32
    %dma_start3A_197 = tpu.memref_slice %arg9[%dma_start3A_193, %dma_start3A_194, %dma_start3A_195, %dma_start3A_196] : memref<2x1x512x64xf32, #tpu.memory_space<vmem>> -> memref<1x1x512x64xf32, #tpu.memory_space<vmem>>
    %dma_start3A_198 = tpu.memref_squeeze %dma_start3A_197 : memref<1x1x512x64xf32, #tpu.memory_space<vmem>> -> memref<512x64xf32, #tpu.memory_space<vmem>>
    %dma_start3A_199 = arith.constant 0 : i32
    %dma_start3A_200 = tpu.memref_slice %arg6[%add3A_192, %dma_start3A_199] : memref<327680x96xf32, #tpu.memory_space<hbm>> -> memref<512x64xf32, #tpu.memory_space<hbm>>
    %dma_start3A_201 = arith.constant 0 : i32
    %dma_start3A_202 = tpu.memref_slice %arg6[%add3A_192, %dma_start3A_201] : memref<327680x96xf32, #tpu.memory_space<hbm>> -> memref<512x64xf32, #tpu.memory_space<hbm>>
    %dma_start3A_203 = arith.constant 0 : i32
    %dma_start3A_204 = arith.constant 0 : i32
    %dma_start3A_205 = tpu.memref_slice %arg9[%dma_start3A_193, %dma_start3A_194, %dma_start3A_203, %dma_start3A_204] : memref<2x1x512x64xf32, #tpu.memory_space<vmem>> -> memref<1x1x512x64xf32, #tpu.memory_space<vmem>>
    %dma_start3A_206 = tpu.memref_squeeze %dma_start3A_205 : memref<1x1x512x64xf32, #tpu.memory_space<vmem>> -> memref<512x64xf32, #tpu.memory_space<vmem>>
    tpu.enqueue_dma source(%dma_start3A_206 : memref<512x64xf32, #tpu.memory_space<vmem>>) target(%dma_start3A_202 : memref<512x64xf32, #tpu.memory_space<hbm>>) target_semaphore(%arg14 : memref<!tpu.dma_semaphore, #tpu.memory_space<semaphore_mem>>)
    %dma_start3A_207 = arith.constant 1 : i32
    %dma_start3A_208 = arith.constant 0 : i32
    %dma_start3A_209 = arith.constant 0 : i32
    %dma_start3A_210 = arith.constant 0 : i32
    %dma_start3A_211 = tpu.memref_slice %arg10[%dma_start3A_207, %dma_start3A_208, %dma_start3A_209, %dma_start3A_210] : memref<2x1x512x32xf32, #tpu.memory_space<vmem>> -> memref<1x1x512x32xf32, #tpu.memory_space<vmem>>
    %dma_start3A_212 = tpu.memref_squeeze %dma_start3A_211 : memref<1x1x512x32xf32, #tpu.memory_space<vmem>> -> memref<512x32xf32, #tpu.memory_space<vmem>>
    %dma_start3A_213 = arith.constant 64 : i32
    %dma_start3A_214 = tpu.memref_slice %arg6[%add3A_192, %dma_start3A_213] : memref<327680x96xf32, #tpu.memory_space<hbm>> -> memref<512x32xf32, #tpu.memory_space<hbm>>
    %dma_start3A_215 = arith.constant 64 : i32
    %dma_start3A_216 = tpu.memref_slice %arg6[%add3A_192, %dma_start3A_215] : memref<327680x96xf32, #tpu.memory_space<hbm>> -> memref<512x32xf32, #tpu.memory_space<hbm>>
    %dma_start3A_217 = arith.constant 0 : i32
    %dma_start3A_218 = arith.constant 0 : i32
    %dma_start3A_219 = tpu.memref_slice %arg10[%dma_start3A_207, %dma_start3A_208, %dma_start3A_217, %dma_start3A_218] : memref<2x1x512x32xf32, #tpu.memory_space<vmem>> -> memref<1x1x512x32xf32, #tpu.memory_space<vmem>>
    %dma_start3A_220 = tpu.memref_squeeze %dma_start3A_219 : memref<1x1x512x32xf32, #tpu.memory_space<vmem>> -> memref<512x32xf32, #tpu.memory_space<vmem>>
    tpu.enqueue_dma source(%dma_start3A_220 : memref<512x32xf32, #tpu.memory_space<vmem>>) target(%dma_start3A_216 : memref<512x32xf32, #tpu.memory_space<hbm>>) target_semaphore(%arg14 : memref<!tpu.dma_semaphore, #tpu.memory_space<semaphore_mem>>)
    %scan3A = arith.constant 0 : i32
    %scan3A_221 = arith.constant 0 : i32
    %scan3A_222 = arith.constant 8 : i32
    %scan3A_223 = arith.addi %scan3A_221, %scan3A_222 : i32
    %scan3A_224 = arith.constant 1 : i32
    scf.for %scan3A_454 = %scan3A_221 to %scan3A_223 step %scan3A_224  : i32 {
      %mul3A_455 = arith.constant 2 : i32
      %mul3A_456 = arith.muli %mul3A_455, %scan3A_454 : i32
      %add3A_457 = arith.constant 2 : i32
      %add3A_458 = arith.addi %mul3A_456, %add3A_457 : i32
      %mul3A_459 = arith.constant 1 : i32
      %mul3A_460 = arith.muli %add3A_458, %mul3A_459 : i32
      %add3A_461 = arith.constant 0 : i32
      %add3A_462 = arith.addi %mul3A_460, %add3A_461 : i32
      %dma_wait3A_463 = arith.constant 0 : i32
      %dma_wait3A_464 = arith.constant 0 : i32
      %dma_wait3A_465 = arith.constant 0 : i32
      %dma_wait3A_466 = arith.constant 0 : i32
      %dma_wait3A_467 = tpu.memref_slice %arg9[%dma_wait3A_463, %dma_wait3A_464, %dma_wait3A_465, %dma_wait3A_466] : memref<2x1x512x64xf32, #tpu.memory_space<vmem>> -> memref<1x1x512x64xf32, #tpu.memory_space<vmem>>
      %dma_wait3A_468 = tpu.memref_squeeze %dma_wait3A_467 : memref<1x1x512x64xf32, #tpu.memory_space<vmem>> -> memref<512x64xf32, #tpu.memory_space<vmem>>
      %dma_wait3A_469 = arith.constant 0 : i32
      %dma_wait3A_470 = tpu.memref_slice %arg7[%add3A_462, %dma_wait3A_469] : memref<20x512xi32, #tpu.memory_space<vmem>> -> memref<1x512xi32, #tpu.memory_space<vmem>>
      %dma_wait3A_471 = tpu.memref_squeeze %dma_wait3A_470 : memref<1x512xi32, #tpu.memory_space<vmem>> -> memref<512xi32, #tpu.memory_space<vmem>>
      %dma_wait3A_472 = arith.constant 0 : i32
      %dma_wait3A_473 = arith.constant 0 : i32
      %dma_wait3A_474 = tpu.memref_slice %arg4[%dma_wait3A_472, %dma_wait3A_473] : memref<1000000x64xf32, #tpu.memory_space<hbm>> -> memref<1000000x64xf32, #tpu.memory_space<hbm>>
      tpu.wait_indirect_dma semaphore(%arg11 : memref<!tpu.dma_semaphore, #tpu.memory_space<semaphore_mem>>) src(%dma_wait3A_474 : memref<1000000x64xf32, #tpu.memory_space<hbm>>) dst(%dma_wait3A_468 : memref<512x64xf32, #tpu.memory_space<vmem>>)
      %dma_wait3A_475 = arith.constant 0 : i32
      %dma_wait3A_476 = arith.constant 0 : i32
      %dma_wait3A_477 = arith.constant 0 : i32
      %dma_wait3A_478 = arith.constant 0 : i32
      %dma_wait3A_479 = tpu.memref_slice %arg10[%dma_wait3A_475, %dma_wait3A_476, %dma_wait3A_477, %dma_wait3A_478] : memref<2x1x512x32xf32, #tpu.memory_space<vmem>> -> memref<1x1x512x32xf32, #tpu.memory_space<vmem>>
      %dma_wait3A_480 = tpu.memref_squeeze %dma_wait3A_479 : memref<1x1x512x32xf32, #tpu.memory_space<vmem>> -> memref<512x32xf32, #tpu.memory_space<vmem>>
      %dma_wait3A_481 = arith.constant 0 : i32
      %dma_wait3A_482 = tpu.memref_slice %arg8[%add3A_462, %dma_wait3A_481] : memref<20x512xi32, #tpu.memory_space<vmem>> -> memref<1x512xi32, #tpu.memory_space<vmem>>
      %dma_wait3A_483 = tpu.memref_squeeze %dma_wait3A_482 : memref<1x512xi32, #tpu.memory_space<vmem>> -> memref<512xi32, #tpu.memory_space<vmem>>
      %dma_wait3A_484 = arith.constant 0 : i32
      %dma_wait3A_485 = arith.constant 0 : i32
      %dma_wait3A_486 = tpu.memref_slice %arg5[%dma_wait3A_484, %dma_wait3A_485] : memref<100000x32xf32, #tpu.memory_space<hbm>> -> memref<100000x32xf32, #tpu.memory_space<hbm>>
      tpu.wait_indirect_dma semaphore(%arg11 : memref<!tpu.dma_semaphore, #tpu.memory_space<semaphore_mem>>) src(%dma_wait3A_486 : memref<100000x32xf32, #tpu.memory_space<hbm>>) dst(%dma_wait3A_480 : memref<512x32xf32, #tpu.memory_space<vmem>>)
      %sub3A = arith.constant 1 : i32
      %sub3A_487 = arith.subi %add3A_458, %sub3A : i32
      %mul3A_488 = arith.constant 1 : i32
      %mul3A_489 = arith.muli %sub3A_487, %mul3A_488 : i32
      %add3A_490 = arith.constant 0 : i32
      %add3A_491 = arith.addi %mul3A_489, %add3A_490 : i32
      %mul3A_492 = arith.constant 512 : i32
      %mul3A_493 = arith.muli %add3A_491, %mul3A_492 : i32
      %add3A_494 = arith.addi %mul3A_2, %mul3A_493 : i32
      %dma_wait3A_495 = arith.constant 1 : i32
      %dma_wait3A_496 = arith.constant 0 : i32
      %dma_wait3A_497 = arith.constant 0 : i32
      %dma_wait3A_498 = arith.constant 0 : i32
      %dma_wait3A_499 = tpu.memref_slice %arg9[%dma_wait3A_495, %dma_wait3A_496, %dma_wait3A_497, %dma_wait3A_498] : memref<2x1x512x64xf32, #tpu.memory_space<vmem>> -> memref<1x1x512x64xf32, #tpu.memory_space<vmem>>
      %dma_wait3A_500 = tpu.memref_squeeze %dma_wait3A_499 : memref<1x1x512x64xf32, #tpu.memory_space<vmem>> -> memref<512x64xf32, #tpu.memory_space<vmem>>
      %dma_wait3A_501 = arith.constant 0 : i32
      %dma_wait3A_502 = tpu.memref_slice %arg6[%add3A_494, %dma_wait3A_501] : memref<327680x96xf32, #tpu.memory_space<hbm>> -> memref<512x64xf32, #tpu.memory_space<hbm>>
      %dma_wait3A_503 = arith.constant 0 : i32
      %dma_wait3A_504 = tpu.memref_slice %arg6[%add3A_494, %dma_wait3A_503] : memref<327680x96xf32, #tpu.memory_space<hbm>> -> memref<512x64xf32, #tpu.memory_space<hbm>>
      %dma_wait3A_505 = arith.constant 0 : i32
      %dma_wait3A_506 = arith.constant 0 : i32
      %dma_wait3A_507 = tpu.memref_slice %arg9[%dma_wait3A_495, %dma_wait3A_496, %dma_wait3A_505, %dma_wait3A_506] : memref<2x1x512x64xf32, #tpu.memory_space<vmem>> -> memref<1x1x512x64xf32, #tpu.memory_space<vmem>>
      %dma_wait3A_508 = tpu.memref_squeeze %dma_wait3A_507 : memref<1x1x512x64xf32, #tpu.memory_space<vmem>> -> memref<512x64xf32, #tpu.memory_space<vmem>>
      tpu.wait_dma2 semaphore(%arg14 : memref<!tpu.dma_semaphore, #tpu.memory_space<semaphore_mem>>) src(%dma_wait3A_508 : memref<512x64xf32, #tpu.memory_space<vmem>>) dst(%dma_wait3A_504 : memref<512x64xf32, #tpu.memory_space<hbm>>)
      %dma_wait3A_509 = arith.constant 1 : i32
      %dma_wait3A_510 = arith.constant 0 : i32
      %dma_wait3A_511 = arith.constant 0 : i32
      %dma_wait3A_512 = arith.constant 0 : i32
      %dma_wait3A_513 = tpu.memref_slice %arg10[%dma_wait3A_509, %dma_wait3A_510, %dma_wait3A_511, %dma_wait3A_512] : memref<2x1x512x32xf32, #tpu.memory_space<vmem>> -> memref<1x1x512x32xf32, #tpu.memory_space<vmem>>
      %dma_wait3A_514 = tpu.memref_squeeze %dma_wait3A_513 : memref<1x1x512x32xf32, #tpu.memory_space<vmem>> -> memref<512x32xf32, #tpu.memory_space<vmem>>
      %dma_wait3A_515 = arith.constant 64 : i32
      %dma_wait3A_516 = tpu.memref_slice %arg6[%add3A_494, %dma_wait3A_515] : memref<327680x96xf32, #tpu.memory_space<hbm>> -> memref<512x32xf32, #tpu.memory_space<hbm>>
      %dma_wait3A_517 = arith.constant 64 : i32
      %dma_wait3A_518 = tpu.memref_slice %arg6[%add3A_494, %dma_wait3A_517] : memref<327680x96xf32, #tpu.memory_space<hbm>> -> memref<512x32xf32, #tpu.memory_space<hbm>>
      %dma_wait3A_519 = arith.constant 0 : i32
      %dma_wait3A_520 = arith.constant 0 : i32
      %dma_wait3A_521 = tpu.memref_slice %arg10[%dma_wait3A_509, %dma_wait3A_510, %dma_wait3A_519, %dma_wait3A_520] : memref<2x1x512x32xf32, #tpu.memory_space<vmem>> -> memref<1x1x512x32xf32, #tpu.memory_space<vmem>>
      %dma_wait3A_522 = tpu.memref_squeeze %dma_wait3A_521 : memref<1x1x512x32xf32, #tpu.memory_space<vmem>> -> memref<512x32xf32, #tpu.memory_space<vmem>>
      tpu.wait_dma2 semaphore(%arg14 : memref<!tpu.dma_semaphore, #tpu.memory_space<semaphore_mem>>) src(%dma_wait3A_522 : memref<512x32xf32, #tpu.memory_space<vmem>>) dst(%dma_wait3A_518 : memref<512x32xf32, #tpu.memory_space<hbm>>)
      %add3A_523 = arith.constant 1 : i32
      %add3A_524 = arith.addi %add3A_458, %add3A_523 : i32
      %mul3A_525 = arith.constant 1 : i32
      %mul3A_526 = arith.muli %add3A_524, %mul3A_525 : i32
      %add3A_527 = arith.constant 0 : i32
      %add3A_528 = arith.addi %mul3A_526, %add3A_527 : i32
      %dma_start3A_529 = arith.constant 1 : i32
      %dma_start3A_530 = arith.constant 0 : i32
      %dma_start3A_531 = arith.constant 0 : i32
      %dma_start3A_532 = arith.constant 0 : i32
      %dma_start3A_533 = tpu.memref_slice %arg9[%dma_start3A_529, %dma_start3A_530, %dma_start3A_531, %dma_start3A_532] : memref<2x1x512x64xf32, #tpu.memory_space<vmem>> -> memref<1x1x512x64xf32, #tpu.memory_space<vmem>>
      %dma_start3A_534 = tpu.memref_squeeze %dma_start3A_533 : memref<1x1x512x64xf32, #tpu.memory_space<vmem>> -> memref<512x64xf32, #tpu.memory_space<vmem>>
      %dma_start3A_535 = arith.constant 0 : i32
      %dma_start3A_536 = tpu.memref_slice %arg7[%add3A_528, %dma_start3A_535] : memref<20x512xi32, #tpu.memory_space<vmem>> -> memref<1x512xi32, #tpu.memory_space<vmem>>
      %dma_start3A_537 = tpu.memref_squeeze %dma_start3A_536 : memref<1x512xi32, #tpu.memory_space<vmem>> -> memref<512xi32, #tpu.memory_space<vmem>>
      %dma_start3A_538 = arith.constant 0 : i32
      %dma_start3A_539 = arith.constant 0 : i32
      %dma_start3A_540 = tpu.memref_slice %arg4[%dma_start3A_538, %dma_start3A_539] : memref<1000000x64xf32, #tpu.memory_space<hbm>> -> memref<1000000x64xf32, #tpu.memory_space<hbm>>
      tpu.enqueue_indirect_dma source(%dma_start3A_540 : memref<1000000x64xf32, #tpu.memory_space<hbm>>) target(%dma_start3A_534 : memref<512x64xf32, #tpu.memory_space<vmem>>) offsets(%dma_start3A_537 : memref<512xi32, #tpu.memory_space<vmem>>) semaphore(%arg12 : memref<!tpu.dma_semaphore, #tpu.memory_space<semaphore_mem>>)
      %dma_start3A_541 = arith.constant 1 : i32
      %dma_start3A_542 = arith.constant 0 : i32
      %dma_start3A_543 = arith.constant 0 : i32
      %dma_start3A_544 = arith.constant 0 : i32
      %dma_start3A_545 = tpu.memref_slice %arg10[%dma_start3A_541, %dma_start3A_542, %dma_start3A_543, %dma_start3A_544] : memref<2x1x512x32xf32, #tpu.memory_space<vmem>> -> memref<1x1x512x32xf32, #tpu.memory_space<vmem>>
      %dma_start3A_546 = tpu.memref_squeeze %dma_start3A_545 : memref<1x1x512x32xf32, #tpu.memory_space<vmem>> -> memref<512x32xf32, #tpu.memory_space<vmem>>
      %dma_start3A_547 = arith.constant 0 : i32
      %dma_start3A_548 = tpu.memref_slice %arg8[%add3A_528, %dma_start3A_547] : memref<20x512xi32, #tpu.memory_space<vmem>> -> memref<1x512xi32, #tpu.memory_space<vmem>>
      %dma_start3A_549 = tpu.memref_squeeze %dma_start3A_548 : memref<1x512xi32, #tpu.memory_space<vmem>> -> memref<512xi32, #tpu.memory_space<vmem>>
      %dma_start3A_550 = arith.constant 0 : i32
      %dma_start3A_551 = arith.constant 0 : i32
      %dma_start3A_552 = tpu.memref_slice %arg5[%dma_start3A_550, %dma_start3A_551] : memref<100000x32xf32, #tpu.memory_space<hbm>> -> memref<100000x32xf32, #tpu.memory_space<hbm>>
      tpu.enqueue_indirect_dma source(%dma_start3A_552 : memref<100000x32xf32, #tpu.memory_space<hbm>>) target(%dma_start3A_546 : memref<512x32xf32, #tpu.memory_space<vmem>>) offsets(%dma_start3A_549 : memref<512xi32, #tpu.memory_space<vmem>>) semaphore(%arg12 : memref<!tpu.dma_semaphore, #tpu.memory_space<semaphore_mem>>)
      %mul3A_553 = arith.constant 1 : i32
      %mul3A_554 = arith.muli %add3A_458, %mul3A_553 : i32
      %add3A_555 = arith.constant 0 : i32
      %add3A_556 = arith.addi %mul3A_554, %add3A_555 : i32
      %mul3A_557 = arith.constant 512 : i32
      %mul3A_558 = arith.muli %add3A_556, %mul3A_557 : i32
      %add3A_559 = arith.addi %mul3A_2, %mul3A_558 : i32
      %dma_start3A_560 = arith.constant 0 : i32
      %dma_start3A_561 = arith.constant 0 : i32
      %dma_start3A_562 = arith.constant 0 : i32
      %dma_start3A_563 = arith.constant 0 : i32
      %dma_start3A_564 = tpu.memref_slice %arg9[%dma_start3A_560, %dma_start3A_561, %dma_start3A_562, %dma_start3A_563] : memref<2x1x512x64xf32, #tpu.memory_space<vmem>> -> memref<1x1x512x64xf32, #tpu.memory_space<vmem>>
      %dma_start3A_565 = tpu.memref_squeeze %dma_start3A_564 : memref<1x1x512x64xf32, #tpu.memory_space<vmem>> -> memref<512x64xf32, #tpu.memory_space<vmem>>
      %dma_start3A_566 = arith.constant 0 : i32
      %dma_start3A_567 = tpu.memref_slice %arg6[%add3A_559, %dma_start3A_566] : memref<327680x96xf32, #tpu.memory_space<hbm>> -> memref<512x64xf32, #tpu.memory_space<hbm>>
      %dma_start3A_568 = arith.constant 0 : i32
      %dma_start3A_569 = tpu.memref_slice %arg6[%add3A_559, %dma_start3A_568] : memref<327680x96xf32, #tpu.memory_space<hbm>> -> memref<512x64xf32, #tpu.memory_space<hbm>>
      %dma_start3A_570 = arith.constant 0 : i32
      %dma_start3A_571 = arith.constant 0 : i32
      %dma_start3A_572 = tpu.memref_slice %arg9[%dma_start3A_560, %dma_start3A_561, %dma_start3A_570, %dma_start3A_571] : memref<2x1x512x64xf32, #tpu.memory_space<vmem>> -> memref<1x1x512x64xf32, #tpu.memory_space<vmem>>
      %dma_start3A_573 = tpu.memref_squeeze %dma_start3A_572 : memref<1x1x512x64xf32, #tpu.memory_space<vmem>> -> memref<512x64xf32, #tpu.memory_space<vmem>>
      tpu.enqueue_dma source(%dma_start3A_573 : memref<512x64xf32, #tpu.memory_space<vmem>>) target(%dma_start3A_569 : memref<512x64xf32, #tpu.memory_space<hbm>>) target_semaphore(%arg13 : memref<!tpu.dma_semaphore, #tpu.memory_space<semaphore_mem>>)
      %dma_start3A_574 = arith.constant 0 : i32
      %dma_start3A_575 = arith.constant 0 : i32
      %dma_start3A_576 = arith.constant 0 : i32
      %dma_start3A_577 = arith.constant 0 : i32
      %dma_start3A_578 = tpu.memref_slice %arg10[%dma_start3A_574, %dma_start3A_575, %dma_start3A_576, %dma_start3A_577] : memref<2x1x512x32xf32, #tpu.memory_space<vmem>> -> memref<1x1x512x32xf32, #tpu.memory_space<vmem>>
      %dma_start3A_579 = tpu.memref_squeeze %dma_start3A_578 : memref<1x1x512x32xf32, #tpu.memory_space<vmem>> -> memref<512x32xf32, #tpu.memory_space<vmem>>
      %dma_start3A_580 = arith.constant 64 : i32
      %dma_start3A_581 = tpu.memref_slice %arg6[%add3A_559, %dma_start3A_580] : memref<327680x96xf32, #tpu.memory_space<hbm>> -> memref<512x32xf32, #tpu.memory_space<hbm>>
      %dma_start3A_582 = arith.constant 64 : i32
      %dma_start3A_583 = tpu.memref_slice %arg6[%add3A_559, %dma_start3A_582] : memref<327680x96xf32, #tpu.memory_space<hbm>> -> memref<512x32xf32, #tpu.memory_space<hbm>>
      %dma_start3A_584 = arith.constant 0 : i32
      %dma_start3A_585 = arith.constant 0 : i32
      %dma_start3A_586 = tpu.memref_slice %arg10[%dma_start3A_574, %dma_start3A_575, %dma_start3A_584, %dma_start3A_585] : memref<2x1x512x32xf32, #tpu.memory_space<vmem>> -> memref<1x1x512x32xf32, #tpu.memory_space<vmem>>
      %dma_start3A_587 = tpu.memref_squeeze %dma_start3A_586 : memref<1x1x512x32xf32, #tpu.memory_space<vmem>> -> memref<512x32xf32, #tpu.memory_space<vmem>>
      tpu.enqueue_dma source(%dma_start3A_587 : memref<512x32xf32, #tpu.memory_space<vmem>>) target(%dma_start3A_583 : memref<512x32xf32, #tpu.memory_space<hbm>>) target_semaphore(%arg13 : memref<!tpu.dma_semaphore, #tpu.memory_space<semaphore_mem>>)
      %add3A_588 = arith.constant 1 : i32
      %add3A_589 = arith.addi %add3A_458, %add3A_588 : i32
      %mul3A_590 = arith.constant 1 : i32
      %mul3A_591 = arith.muli %add3A_589, %mul3A_590 : i32
      %add3A_592 = arith.constant 0 : i32
      %add3A_593 = arith.addi %mul3A_591, %add3A_592 : i32
      %dma_wait3A_594 = arith.constant 1 : i32
      %dma_wait3A_595 = arith.constant 0 : i32
      %dma_wait3A_596 = arith.constant 0 : i32
      %dma_wait3A_597 = arith.constant 0 : i32
      %dma_wait3A_598 = tpu.memref_slice %arg9[%dma_wait3A_594, %dma_wait3A_595, %dma_wait3A_596, %dma_wait3A_597] : memref<2x1x512x64xf32, #tpu.memory_space<vmem>> -> memref<1x1x512x64xf32, #tpu.memory_space<vmem>>
      %dma_wait3A_599 = tpu.memref_squeeze %dma_wait3A_598 : memref<1x1x512x64xf32, #tpu.memory_space<vmem>> -> memref<512x64xf32, #tpu.memory_space<vmem>>
      %dma_wait3A_600 = arith.constant 0 : i32
      %dma_wait3A_601 = tpu.memref_slice %arg7[%add3A_593, %dma_wait3A_600] : memref<20x512xi32, #tpu.memory_space<vmem>> -> memref<1x512xi32, #tpu.memory_space<vmem>>
      %dma_wait3A_602 = tpu.memref_squeeze %dma_wait3A_601 : memref<1x512xi32, #tpu.memory_space<vmem>> -> memref<512xi32, #tpu.memory_space<vmem>>
      %dma_wait3A_603 = arith.constant 0 : i32
      %dma_wait3A_604 = arith.constant 0 : i32
      %dma_wait3A_605 = tpu.memref_slice %arg4[%dma_wait3A_603, %dma_wait3A_604] : memref<1000000x64xf32, #tpu.memory_space<hbm>> -> memref<1000000x64xf32, #tpu.memory_space<hbm>>
      tpu.wait_indirect_dma semaphore(%arg12 : memref<!tpu.dma_semaphore, #tpu.memory_space<semaphore_mem>>) src(%dma_wait3A_605 : memref<1000000x64xf32, #tpu.memory_space<hbm>>) dst(%dma_wait3A_599 : memref<512x64xf32, #tpu.memory_space<vmem>>)
      %dma_wait3A_606 = arith.constant 1 : i32
      %dma_wait3A_607 = arith.constant 0 : i32
      %dma_wait3A_608 = arith.constant 0 : i32
      %dma_wait3A_609 = arith.constant 0 : i32
      %dma_wait3A_610 = tpu.memref_slice %arg10[%dma_wait3A_606, %dma_wait3A_607, %dma_wait3A_608, %dma_wait3A_609] : memref<2x1x512x32xf32, #tpu.memory_space<vmem>> -> memref<1x1x512x32xf32, #tpu.memory_space<vmem>>
      %dma_wait3A_611 = tpu.memref_squeeze %dma_wait3A_610 : memref<1x1x512x32xf32, #tpu.memory_space<vmem>> -> memref<512x32xf32, #tpu.memory_space<vmem>>
      %dma_wait3A_612 = arith.constant 0 : i32
      %dma_wait3A_613 = tpu.memref_slice %arg8[%add3A_593, %dma_wait3A_612] : memref<20x512xi32, #tpu.memory_space<vmem>> -> memref<1x512xi32, #tpu.memory_space<vmem>>
      %dma_wait3A_614 = tpu.memref_squeeze %dma_wait3A_613 : memref<1x512xi32, #tpu.memory_space<vmem>> -> memref<512xi32, #tpu.memory_space<vmem>>
      %dma_wait3A_615 = arith.constant 0 : i32
      %dma_wait3A_616 = arith.constant 0 : i32
      %dma_wait3A_617 = tpu.memref_slice %arg5[%dma_wait3A_615, %dma_wait3A_616] : memref<100000x32xf32, #tpu.memory_space<hbm>> -> memref<100000x32xf32, #tpu.memory_space<hbm>>
      tpu.wait_indirect_dma semaphore(%arg12 : memref<!tpu.dma_semaphore, #tpu.memory_space<semaphore_mem>>) src(%dma_wait3A_617 : memref<100000x32xf32, #tpu.memory_space<hbm>>) dst(%dma_wait3A_611 : memref<512x32xf32, #tpu.memory_space<vmem>>)
      %mul3A_618 = arith.constant 1 : i32
      %mul3A_619 = arith.muli %add3A_458, %mul3A_618 : i32
      %add3A_620 = arith.constant 0 : i32
      %add3A_621 = arith.addi %mul3A_619, %add3A_620 : i32
      %mul3A_622 = arith.constant 512 : i32
      %mul3A_623 = arith.muli %add3A_621, %mul3A_622 : i32
      %add3A_624 = arith.addi %mul3A_2, %mul3A_623 : i32
      %dma_wait3A_625 = arith.constant 0 : i32
      %dma_wait3A_626 = arith.constant 0 : i32
      %dma_wait3A_627 = arith.constant 0 : i32
      %dma_wait3A_628 = arith.constant 0 : i32
      %dma_wait3A_629 = tpu.memref_slice %arg9[%dma_wait3A_625, %dma_wait3A_626, %dma_wait3A_627, %dma_wait3A_628] : memref<2x1x512x64xf32, #tpu.memory_space<vmem>> -> memref<1x1x512x64xf32, #tpu.memory_space<vmem>>
      %dma_wait3A_630 = tpu.memref_squeeze %dma_wait3A_629 : memref<1x1x512x64xf32, #tpu.memory_space<vmem>> -> memref<512x64xf32, #tpu.memory_space<vmem>>
      %dma_wait3A_631 = arith.constant 0 : i32
      %dma_wait3A_632 = tpu.memref_slice %arg6[%add3A_624, %dma_wait3A_631] : memref<327680x96xf32, #tpu.memory_space<hbm>> -> memref<512x64xf32, #tpu.memory_space<hbm>>
      %dma_wait3A_633 = arith.constant 0 : i32
      %dma_wait3A_634 = tpu.memref_slice %arg6[%add3A_624, %dma_wait3A_633] : memref<327680x96xf32, #tpu.memory_space<hbm>> -> memref<512x64xf32, #tpu.memory_space<hbm>>
      %dma_wait3A_635 = arith.constant 0 : i32
      %dma_wait3A_636 = arith.constant 0 : i32
      %dma_wait3A_637 = tpu.memref_slice %arg9[%dma_wait3A_625, %dma_wait3A_626, %dma_wait3A_635, %dma_wait3A_636] : memref<2x1x512x64xf32, #tpu.memory_space<vmem>> -> memref<1x1x512x64xf32, #tpu.memory_space<vmem>>
      %dma_wait3A_638 = tpu.memref_squeeze %dma_wait3A_637 : memref<1x1x512x64xf32, #tpu.memory_space<vmem>> -> memref<512x64xf32, #tpu.memory_space<vmem>>
      tpu.wait_dma2 semaphore(%arg13 : memref<!tpu.dma_semaphore, #tpu.memory_space<semaphore_mem>>) src(%dma_wait3A_638 : memref<512x64xf32, #tpu.memory_space<vmem>>) dst(%dma_wait3A_634 : memref<512x64xf32, #tpu.memory_space<hbm>>)
      %dma_wait3A_639 = arith.constant 0 : i32
      %dma_wait3A_640 = arith.constant 0 : i32
      %dma_wait3A_641 = arith.constant 0 : i32
      %dma_wait3A_642 = arith.constant 0 : i32
      %dma_wait3A_643 = tpu.memref_slice %arg10[%dma_wait3A_639, %dma_wait3A_640, %dma_wait3A_641, %dma_wait3A_642] : memref<2x1x512x32xf32, #tpu.memory_space<vmem>> -> memref<1x1x512x32xf32, #tpu.memory_space<vmem>>
      %dma_wait3A_644 = tpu.memref_squeeze %dma_wait3A_643 : memref<1x1x512x32xf32, #tpu.memory_space<vmem>> -> memref<512x32xf32, #tpu.memory_space<vmem>>
      %dma_wait3A_645 = arith.constant 64 : i32
      %dma_wait3A_646 = tpu.memref_slice %arg6[%add3A_624, %dma_wait3A_645] : memref<327680x96xf32, #tpu.memory_space<hbm>> -> memref<512x32xf32, #tpu.memory_space<hbm>>
      %dma_wait3A_647 = arith.constant 64 : i32
      %dma_wait3A_648 = tpu.memref_slice %arg6[%add3A_624, %dma_wait3A_647] : memref<327680x96xf32, #tpu.memory_space<hbm>> -> memref<512x32xf32, #tpu.memory_space<hbm>>
      %dma_wait3A_649 = arith.constant 0 : i32
      %dma_wait3A_650 = arith.constant 0 : i32
      %dma_wait3A_651 = tpu.memref_slice %arg10[%dma_wait3A_639, %dma_wait3A_640, %dma_wait3A_649, %dma_wait3A_650] : memref<2x1x512x32xf32, #tpu.memory_space<vmem>> -> memref<1x1x512x32xf32, #tpu.memory_space<vmem>>
      %dma_wait3A_652 = tpu.memref_squeeze %dma_wait3A_651 : memref<1x1x512x32xf32, #tpu.memory_space<vmem>> -> memref<512x32xf32, #tpu.memory_space<vmem>>
      tpu.wait_dma2 semaphore(%arg13 : memref<!tpu.dma_semaphore, #tpu.memory_space<semaphore_mem>>) src(%dma_wait3A_652 : memref<512x32xf32, #tpu.memory_space<vmem>>) dst(%dma_wait3A_648 : memref<512x32xf32, #tpu.memory_space<hbm>>)
      %add3A_653 = arith.constant 2 : i32
      %add3A_654 = arith.addi %add3A_458, %add3A_653 : i32
      %mul3A_655 = arith.constant 1 : i32
      %mul3A_656 = arith.muli %add3A_654, %mul3A_655 : i32
      %add3A_657 = arith.constant 0 : i32
      %add3A_658 = arith.addi %mul3A_656, %add3A_657 : i32
      %dma_start3A_659 = arith.constant 0 : i32
      %dma_start3A_660 = arith.constant 0 : i32
      %dma_start3A_661 = arith.constant 0 : i32
      %dma_start3A_662 = arith.constant 0 : i32
      %dma_start3A_663 = tpu.memref_slice %arg9[%dma_start3A_659, %dma_start3A_660, %dma_start3A_661, %dma_start3A_662] : memref<2x1x512x64xf32, #tpu.memory_space<vmem>> -> memref<1x1x512x64xf32, #tpu.memory_space<vmem>>
      %dma_start3A_664 = tpu.memref_squeeze %dma_start3A_663 : memref<1x1x512x64xf32, #tpu.memory_space<vmem>> -> memref<512x64xf32, #tpu.memory_space<vmem>>
      %dma_start3A_665 = arith.constant 0 : i32
      %dma_start3A_666 = tpu.memref_slice %arg7[%add3A_658, %dma_start3A_665] : memref<20x512xi32, #tpu.memory_space<vmem>> -> memref<1x512xi32, #tpu.memory_space<vmem>>
      %dma_start3A_667 = tpu.memref_squeeze %dma_start3A_666 : memref<1x512xi32, #tpu.memory_space<vmem>> -> memref<512xi32, #tpu.memory_space<vmem>>
      %dma_start3A_668 = arith.constant 0 : i32
      %dma_start3A_669 = arith.constant 0 : i32
      %dma_start3A_670 = tpu.memref_slice %arg4[%dma_start3A_668, %dma_start3A_669] : memref<1000000x64xf32, #tpu.memory_space<hbm>> -> memref<1000000x64xf32, #tpu.memory_space<hbm>>
      tpu.enqueue_indirect_dma source(%dma_start3A_670 : memref<1000000x64xf32, #tpu.memory_space<hbm>>) target(%dma_start3A_664 : memref<512x64xf32, #tpu.memory_space<vmem>>) offsets(%dma_start3A_667 : memref<512xi32, #tpu.memory_space<vmem>>) semaphore(%arg11 : memref<!tpu.dma_semaphore, #tpu.memory_space<semaphore_mem>>)
      %dma_start3A_671 = arith.constant 0 : i32
      %dma_start3A_672 = arith.constant 0 : i32
      %dma_start3A_673 = arith.constant 0 : i32
      %dma_start3A_674 = arith.constant 0 : i32
      %dma_start3A_675 = tpu.memref_slice %arg10[%dma_start3A_671, %dma_start3A_672, %dma_start3A_673, %dma_start3A_674] : memref<2x1x512x32xf32, #tpu.memory_space<vmem>> -> memref<1x1x512x32xf32, #tpu.memory_space<vmem>>
      %dma_start3A_676 = tpu.memref_squeeze %dma_start3A_675 : memref<1x1x512x32xf32, #tpu.memory_space<vmem>> -> memref<512x32xf32, #tpu.memory_space<vmem>>
      %dma_start3A_677 = arith.constant 0 : i32
      %dma_start3A_678 = tpu.memref_slice %arg8[%add3A_658, %dma_start3A_677] : memref<20x512xi32, #tpu.memory_space<vmem>> -> memref<1x512xi32, #tpu.memory_space<vmem>>
      %dma_start3A_679 = tpu.memref_squeeze %dma_start3A_678 : memref<1x512xi32, #tpu.memory_space<vmem>> -> memref<512xi32, #tpu.memory_space<vmem>>
      %dma_start3A_680 = arith.constant 0 : i32
      %dma_start3A_681 = arith.constant 0 : i32
      %dma_start3A_682 = tpu.memref_slice %arg5[%dma_start3A_680, %dma_start3A_681] : memref<100000x32xf32, #tpu.memory_space<hbm>> -> memref<100000x32xf32, #tpu.memory_space<hbm>>
      tpu.enqueue_indirect_dma source(%dma_start3A_682 : memref<100000x32xf32, #tpu.memory_space<hbm>>) target(%dma_start3A_676 : memref<512x32xf32, #tpu.memory_space<vmem>>) offsets(%dma_start3A_679 : memref<512xi32, #tpu.memory_space<vmem>>) semaphore(%arg11 : memref<!tpu.dma_semaphore, #tpu.memory_space<semaphore_mem>>)
      %add3A_683 = arith.constant 1 : i32
      %add3A_684 = arith.addi %add3A_458, %add3A_683 : i32
      %mul3A_685 = arith.constant 1 : i32
      %mul3A_686 = arith.muli %add3A_684, %mul3A_685 : i32
      %add3A_687 = arith.constant 0 : i32
      %add3A_688 = arith.addi %mul3A_686, %add3A_687 : i32
      %mul3A_689 = arith.constant 512 : i32
      %mul3A_690 = arith.muli %add3A_688, %mul3A_689 : i32
      %add3A_691 = arith.addi %mul3A_2, %mul3A_690 : i32
      %dma_start3A_692 = arith.constant 1 : i32
      %dma_start3A_693 = arith.constant 0 : i32
      %dma_start3A_694 = arith.constant 0 : i32
      %dma_start3A_695 = arith.constant 0 : i32
      %dma_start3A_696 = tpu.memref_slice %arg9[%dma_start3A_692, %dma_start3A_693, %dma_start3A_694, %dma_start3A_695] : memref<2x1x512x64xf32, #tpu.memory_space<vmem>> -> memref<1x1x512x64xf32, #tpu.memory_space<vmem>>
      %dma_start3A_697 = tpu.memref_squeeze %dma_start3A_696 : memref<1x1x512x64xf32, #tpu.memory_space<vmem>> -> memref<512x64xf32, #tpu.memory_space<vmem>>
      %dma_start3A_698 = arith.constant 0 : i32
      %dma_start3A_699 = tpu.memref_slice %arg6[%add3A_691, %dma_start3A_698] : memref<327680x96xf32, #tpu.memory_space<hbm>> -> memref<512x64xf32, #tpu.memory_space<hbm>>
      %dma_start3A_700 = arith.constant 0 : i32
      %dma_start3A_701 = tpu.memref_slice %arg6[%add3A_691, %dma_start3A_700] : memref<327680x96xf32, #tpu.memory_space<hbm>> -> memref<512x64xf32, #tpu.memory_space<hbm>>
      %dma_start3A_702 = arith.constant 0 : i32
      %dma_start3A_703 = arith.constant 0 : i32
      %dma_start3A_704 = tpu.memref_slice %arg9[%dma_start3A_692, %dma_start3A_693, %dma_start3A_702, %dma_start3A_703] : memref<2x1x512x64xf32, #tpu.memory_space<vmem>> -> memref<1x1x512x64xf32, #tpu.memory_space<vmem>>
      %dma_start3A_705 = tpu.memref_squeeze %dma_start3A_704 : memref<1x1x512x64xf32, #tpu.memory_space<vmem>> -> memref<512x64xf32, #tpu.memory_space<vmem>>
      tpu.enqueue_dma source(%dma_start3A_705 : memref<512x64xf32, #tpu.memory_space<vmem>>) target(%dma_start3A_701 : memref<512x64xf32, #tpu.memory_space<hbm>>) target_semaphore(%arg14 : memref<!tpu.dma_semaphore, #tpu.memory_space<semaphore_mem>>)
      %dma_start3A_706 = arith.constant 1 : i32
      %dma_start3A_707 = arith.constant 0 : i32
      %dma_start3A_708 = arith.constant 0 : i32
      %dma_start3A_709 = arith.constant 0 : i32
      %dma_start3A_710 = tpu.memref_slice %arg10[%dma_start3A_706, %dma_start3A_707, %dma_start3A_708, %dma_start3A_709] : memref<2x1x512x32xf32, #tpu.memory_space<vmem>> -> memref<1x1x512x32xf32, #tpu.memory_space<vmem>>
      %dma_start3A_711 = tpu.memref_squeeze %dma_start3A_710 : memref<1x1x512x32xf32, #tpu.memory_space<vmem>> -> memref<512x32xf32, #tpu.memory_space<vmem>>
      %dma_start3A_712 = arith.constant 64 : i32
      %dma_start3A_713 = tpu.memref_slice %arg6[%add3A_691, %dma_start3A_712] : memref<327680x96xf32, #tpu.memory_space<hbm>> -> memref<512x32xf32, #tpu.memory_space<hbm>>
      %dma_start3A_714 = arith.constant 64 : i32
      %dma_start3A_715 = tpu.memref_slice %arg6[%add3A_691, %dma_start3A_714] : memref<327680x96xf32, #tpu.memory_space<hbm>> -> memref<512x32xf32, #tpu.memory_space<hbm>>
      %dma_start3A_716 = arith.constant 0 : i32
      %dma_start3A_717 = arith.constant 0 : i32
      %dma_start3A_718 = tpu.memref_slice %arg10[%dma_start3A_706, %dma_start3A_707, %dma_start3A_716, %dma_start3A_717] : memref<2x1x512x32xf32, #tpu.memory_space<vmem>> -> memref<1x1x512x32xf32, #tpu.memory_space<vmem>>
      %dma_start3A_719 = tpu.memref_squeeze %dma_start3A_718 : memref<1x1x512x32xf32, #tpu.memory_space<vmem>> -> memref<512x32xf32, #tpu.memory_space<vmem>>
      tpu.enqueue_dma source(%dma_start3A_719 : memref<512x32xf32, #tpu.memory_space<vmem>>) target(%dma_start3A_715 : memref<512x32xf32, #tpu.memory_space<hbm>>) target_semaphore(%arg14 : memref<!tpu.dma_semaphore, #tpu.memory_space<semaphore_mem>>)
    }
    %scan3A_225 = arith.constant 8 : i32
    %dma_wait3A_226 = arith.constant 18 : i32
    %dma_wait3A_227 = arith.constant 0 : i32
    %dma_wait3A_228 = arith.constant 0 : i32
    %dma_wait3A_229 = arith.constant 0 : i32
    %dma_wait3A_230 = arith.constant 0 : i32
    %dma_wait3A_231 = tpu.memref_slice %arg9[%dma_wait3A_227, %dma_wait3A_228, %dma_wait3A_229, %dma_wait3A_230] : memref<2x1x512x64xf32, #tpu.memory_space<vmem>> -> memref<1x1x512x64xf32, #tpu.memory_space<vmem>>
    %dma_wait3A_232 = tpu.memref_squeeze %dma_wait3A_231 : memref<1x1x512x64xf32, #tpu.memory_space<vmem>> -> memref<512x64xf32, #tpu.memory_space<vmem>>
    %dma_wait3A_233 = arith.constant 0 : i32
    %dma_wait3A_234 = tpu.memref_slice %arg7[%dma_wait3A_226, %dma_wait3A_233] : memref<20x512xi32, #tpu.memory_space<vmem>> -> memref<1x512xi32, #tpu.memory_space<vmem>>
    %dma_wait3A_235 = tpu.memref_squeeze %dma_wait3A_234 : memref<1x512xi32, #tpu.memory_space<vmem>> -> memref<512xi32, #tpu.memory_space<vmem>>
    %dma_wait3A_236 = arith.constant 0 : i32
    %dma_wait3A_237 = arith.constant 0 : i32
    %dma_wait3A_238 = tpu.memref_slice %arg4[%dma_wait3A_236, %dma_wait3A_237] : memref<1000000x64xf32, #tpu.memory_space<hbm>> -> memref<1000000x64xf32, #tpu.memory_space<hbm>>
    tpu.wait_indirect_dma semaphore(%arg11 : memref<!tpu.dma_semaphore, #tpu.memory_space<semaphore_mem>>) src(%dma_wait3A_238 : memref<1000000x64xf32, #tpu.memory_space<hbm>>) dst(%dma_wait3A_232 : memref<512x64xf32, #tpu.memory_space<vmem>>)
    %dma_wait3A_239 = arith.constant 18 : i32
    %dma_wait3A_240 = arith.constant 0 : i32
    %dma_wait3A_241 = arith.constant 0 : i32
    %dma_wait3A_242 = arith.constant 0 : i32
    %dma_wait3A_243 = arith.constant 0 : i32
    %dma_wait3A_244 = tpu.memref_slice %arg10[%dma_wait3A_240, %dma_wait3A_241, %dma_wait3A_242, %dma_wait3A_243] : memref<2x1x512x32xf32, #tpu.memory_space<vmem>> -> memref<1x1x512x32xf32, #tpu.memory_space<vmem>>
    %dma_wait3A_245 = tpu.memref_squeeze %dma_wait3A_244 : memref<1x1x512x32xf32, #tpu.memory_space<vmem>> -> memref<512x32xf32, #tpu.memory_space<vmem>>
    %dma_wait3A_246 = arith.constant 0 : i32
    %dma_wait3A_247 = tpu.memref_slice %arg8[%dma_wait3A_239, %dma_wait3A_246] : memref<20x512xi32, #tpu.memory_space<vmem>> -> memref<1x512xi32, #tpu.memory_space<vmem>>
    %dma_wait3A_248 = tpu.memref_squeeze %dma_wait3A_247 : memref<1x512xi32, #tpu.memory_space<vmem>> -> memref<512xi32, #tpu.memory_space<vmem>>
    %dma_wait3A_249 = arith.constant 0 : i32
    %dma_wait3A_250 = arith.constant 0 : i32
    %dma_wait3A_251 = tpu.memref_slice %arg5[%dma_wait3A_249, %dma_wait3A_250] : memref<100000x32xf32, #tpu.memory_space<hbm>> -> memref<100000x32xf32, #tpu.memory_space<hbm>>
    tpu.wait_indirect_dma semaphore(%arg11 : memref<!tpu.dma_semaphore, #tpu.memory_space<semaphore_mem>>) src(%dma_wait3A_251 : memref<100000x32xf32, #tpu.memory_space<hbm>>) dst(%dma_wait3A_245 : memref<512x32xf32, #tpu.memory_space<vmem>>)
    %add3A_252 = arith.constant 8704 : i32
    %add3A_253 = arith.addi %mul3A_2, %add3A_252 : i32
    %dma_wait3A_254 = arith.constant 1 : i32
    %dma_wait3A_255 = arith.constant 0 : i32
    %dma_wait3A_256 = arith.constant 0 : i32
    %dma_wait3A_257 = arith.constant 0 : i32
    %dma_wait3A_258 = tpu.memref_slice %arg9[%dma_wait3A_254, %dma_wait3A_255, %dma_wait3A_256, %dma_wait3A_257] : memref<2x1x512x64xf32, #tpu.memory_space<vmem>> -> memref<1x1x512x64xf32, #tpu.memory_space<vmem>>
    %dma_wait3A_259 = tpu.memref_squeeze %dma_wait3A_258 : memref<1x1x512x64xf32, #tpu.memory_space<vmem>> -> memref<512x64xf32, #tpu.memory_space<vmem>>
    %dma_wait3A_260 = arith.constant 0 : i32
    %dma_wait3A_261 = tpu.memref_slice %arg6[%add3A_253, %dma_wait3A_260] : memref<327680x96xf32, #tpu.memory_space<hbm>> -> memref<512x64xf32, #tpu.memory_space<hbm>>
    %dma_wait3A_262 = arith.constant 0 : i32
    %dma_wait3A_263 = tpu.memref_slice %arg6[%add3A_253, %dma_wait3A_262] : memref<327680x96xf32, #tpu.memory_space<hbm>> -> memref<512x64xf32, #tpu.memory_space<hbm>>
    %dma_wait3A_264 = arith.constant 0 : i32
    %dma_wait3A_265 = arith.constant 0 : i32
    %dma_wait3A_266 = tpu.memref_slice %arg9[%dma_wait3A_254, %dma_wait3A_255, %dma_wait3A_264, %dma_wait3A_265] : memref<2x1x512x64xf32, #tpu.memory_space<vmem>> -> memref<1x1x512x64xf32, #tpu.memory_space<vmem>>
    %dma_wait3A_267 = tpu.memref_squeeze %dma_wait3A_266 : memref<1x1x512x64xf32, #tpu.memory_space<vmem>> -> memref<512x64xf32, #tpu.memory_space<vmem>>
    tpu.wait_dma2 semaphore(%arg14 : memref<!tpu.dma_semaphore, #tpu.memory_space<semaphore_mem>>) src(%dma_wait3A_267 : memref<512x64xf32, #tpu.memory_space<vmem>>) dst(%dma_wait3A_263 : memref<512x64xf32, #tpu.memory_space<hbm>>)
    %dma_wait3A_268 = arith.constant 1 : i32
    %dma_wait3A_269 = arith.constant 0 : i32
    %dma_wait3A_270 = arith.constant 0 : i32
    %dma_wait3A_271 = arith.constant 0 : i32
    %dma_wait3A_272 = tpu.memref_slice %arg10[%dma_wait3A_268, %dma_wait3A_269, %dma_wait3A_270, %dma_wait3A_271] : memref<2x1x512x32xf32, #tpu.memory_space<vmem>> -> memref<1x1x512x32xf32, #tpu.memory_space<vmem>>
    %dma_wait3A_273 = tpu.memref_squeeze %dma_wait3A_272 : memref<1x1x512x32xf32, #tpu.memory_space<vmem>> -> memref<512x32xf32, #tpu.memory_space<vmem>>
    %dma_wait3A_274 = arith.constant 64 : i32
    %dma_wait3A_275 = tpu.memref_slice %arg6[%add3A_253, %dma_wait3A_274] : memref<327680x96xf32, #tpu.memory_space<hbm>> -> memref<512x32xf32, #tpu.memory_space<hbm>>
    %dma_wait3A_276 = arith.constant 64 : i32
    %dma_wait3A_277 = tpu.memref_slice %arg6[%add3A_253, %dma_wait3A_276] : memref<327680x96xf32, #tpu.memory_space<hbm>> -> memref<512x32xf32, #tpu.memory_space<hbm>>
    %dma_wait3A_278 = arith.constant 0 : i32
    %dma_wait3A_279 = arith.constant 0 : i32
    %dma_wait3A_280 = tpu.memref_slice %arg10[%dma_wait3A_268, %dma_wait3A_269, %dma_wait3A_278, %dma_wait3A_279] : memref<2x1x512x32xf32, #tpu.memory_space<vmem>> -> memref<1x1x512x32xf32, #tpu.memory_space<vmem>>
    %dma_wait3A_281 = tpu.memref_squeeze %dma_wait3A_280 : memref<1x1x512x32xf32, #tpu.memory_space<vmem>> -> memref<512x32xf32, #tpu.memory_space<vmem>>
    tpu.wait_dma2 semaphore(%arg14 : memref<!tpu.dma_semaphore, #tpu.memory_space<semaphore_mem>>) src(%dma_wait3A_281 : memref<512x32xf32, #tpu.memory_space<vmem>>) dst(%dma_wait3A_277 : memref<512x32xf32, #tpu.memory_space<hbm>>)
    %dma_start3A_282 = arith.constant 19 : i32
    %dma_start3A_283 = arith.constant 1 : i32
    %dma_start3A_284 = arith.constant 0 : i32
    %dma_start3A_285 = arith.constant 0 : i32
    %dma_start3A_286 = arith.constant 0 : i32
    %dma_start3A_287 = tpu.memref_slice %arg9[%dma_start3A_283, %dma_start3A_284, %dma_start3A_285, %dma_start3A_286] : memref<2x1x512x64xf32, #tpu.memory_space<vmem>> -> memref<1x1x512x64xf32, #tpu.memory_space<vmem>>
    %dma_start3A_288 = tpu.memref_squeeze %dma_start3A_287 : memref<1x1x512x64xf32, #tpu.memory_space<vmem>> -> memref<512x64xf32, #tpu.memory_space<vmem>>
    %dma_start3A_289 = arith.constant 0 : i32
    %dma_start3A_290 = tpu.memref_slice %arg7[%dma_start3A_282, %dma_start3A_289] : memref<20x512xi32, #tpu.memory_space<vmem>> -> memref<1x512xi32, #tpu.memory_space<vmem>>
    %dma_start3A_291 = tpu.memref_squeeze %dma_start3A_290 : memref<1x512xi32, #tpu.memory_space<vmem>> -> memref<512xi32, #tpu.memory_space<vmem>>
    %dma_start3A_292 = arith.constant 0 : i32
    %dma_start3A_293 = arith.constant 0 : i32
    %dma_start3A_294 = tpu.memref_slice %arg4[%dma_start3A_292, %dma_start3A_293] : memref<1000000x64xf32, #tpu.memory_space<hbm>> -> memref<1000000x64xf32, #tpu.memory_space<hbm>>
    tpu.enqueue_indirect_dma source(%dma_start3A_294 : memref<1000000x64xf32, #tpu.memory_space<hbm>>) target(%dma_start3A_288 : memref<512x64xf32, #tpu.memory_space<vmem>>) offsets(%dma_start3A_291 : memref<512xi32, #tpu.memory_space<vmem>>) semaphore(%arg12 : memref<!tpu.dma_semaphore, #tpu.memory_space<semaphore_mem>>)
    %dma_start3A_295 = arith.constant 19 : i32
    %dma_start3A_296 = arith.constant 1 : i32
    %dma_start3A_297 = arith.constant 0 : i32
    %dma_start3A_298 = arith.constant 0 : i32
    %dma_start3A_299 = arith.constant 0 : i32
    %dma_start3A_300 = tpu.memref_slice %arg10[%dma_start3A_296, %dma_start3A_297, %dma_start3A_298, %dma_start3A_299] : memref<2x1x512x32xf32, #tpu.memory_space<vmem>> -> memref<1x1x512x32xf32, #tpu.memory_space<vmem>>
    %dma_start3A_301 = tpu.memref_squeeze %dma_start3A_300 : memref<1x1x512x32xf32, #tpu.memory_space<vmem>> -> memref<512x32xf32, #tpu.memory_space<vmem>>
    %dma_start3A_302 = arith.constant 0 : i32
    %dma_start3A_303 = tpu.memref_slice %arg8[%dma_start3A_295, %dma_start3A_302] : memref<20x512xi32, #tpu.memory_space<vmem>> -> memref<1x512xi32, #tpu.memory_space<vmem>>
    %dma_start3A_304 = tpu.memref_squeeze %dma_start3A_303 : memref<1x512xi32, #tpu.memory_space<vmem>> -> memref<512xi32, #tpu.memory_space<vmem>>
    %dma_start3A_305 = arith.constant 0 : i32
    %dma_start3A_306 = arith.constant 0 : i32
    %dma_start3A_307 = tpu.memref_slice %arg5[%dma_start3A_305, %dma_start3A_306] : memref<100000x32xf32, #tpu.memory_space<hbm>> -> memref<100000x32xf32, #tpu.memory_space<hbm>>
    tpu.enqueue_indirect_dma source(%dma_start3A_307 : memref<100000x32xf32, #tpu.memory_space<hbm>>) target(%dma_start3A_301 : memref<512x32xf32, #tpu.memory_space<vmem>>) offsets(%dma_start3A_304 : memref<512xi32, #tpu.memory_space<vmem>>) semaphore(%arg12 : memref<!tpu.dma_semaphore, #tpu.memory_space<semaphore_mem>>)
    %add3A_308 = arith.constant 9216 : i32
    %add3A_309 = arith.addi %mul3A_2, %add3A_308 : i32
    %dma_start3A_310 = arith.constant 0 : i32
    %dma_start3A_311 = arith.constant 0 : i32
    %dma_start3A_312 = arith.constant 0 : i32
    %dma_start3A_313 = arith.constant 0 : i32
    %dma_start3A_314 = tpu.memref_slice %arg9[%dma_start3A_310, %dma_start3A_311, %dma_start3A_312, %dma_start3A_313] : memref<2x1x512x64xf32, #tpu.memory_space<vmem>> -> memref<1x1x512x64xf32, #tpu.memory_space<vmem>>
    %dma_start3A_315 = tpu.memref_squeeze %dma_start3A_314 : memref<1x1x512x64xf32, #tpu.memory_space<vmem>> -> memref<512x64xf32, #tpu.memory_space<vmem>>
    %dma_start3A_316 = arith.constant 0 : i32
    %dma_start3A_317 = tpu.memref_slice %arg6[%add3A_309, %dma_start3A_316] : memref<327680x96xf32, #tpu.memory_space<hbm>> -> memref<512x64xf32, #tpu.memory_space<hbm>>
    %dma_start3A_318 = arith.constant 0 : i32
    %dma_start3A_319 = tpu.memref_slice %arg6[%add3A_309, %dma_start3A_318] : memref<327680x96xf32, #tpu.memory_space<hbm>> -> memref<512x64xf32, #tpu.memory_space<hbm>>
    %dma_start3A_320 = arith.constant 0 : i32
    %dma_start3A_321 = arith.constant 0 : i32
    %dma_start3A_322 = tpu.memref_slice %arg9[%dma_start3A_310, %dma_start3A_311, %dma_start3A_320, %dma_start3A_321] : memref<2x1x512x64xf32, #tpu.memory_space<vmem>> -> memref<1x1x512x64xf32, #tpu.memory_space<vmem>>
    %dma_start3A_323 = tpu.memref_squeeze %dma_start3A_322 : memref<1x1x512x64xf32, #tpu.memory_space<vmem>> -> memref<512x64xf32, #tpu.memory_space<vmem>>
    tpu.enqueue_dma source(%dma_start3A_323 : memref<512x64xf32, #tpu.memory_space<vmem>>) target(%dma_start3A_319 : memref<512x64xf32, #tpu.memory_space<hbm>>) target_semaphore(%arg13 : memref<!tpu.dma_semaphore, #tpu.memory_space<semaphore_mem>>)
    %dma_start3A_324 = arith.constant 0 : i32
    %dma_start3A_325 = arith.constant 0 : i32
    %dma_start3A_326 = arith.constant 0 : i32
    %dma_start3A_327 = arith.constant 0 : i32
    %dma_start3A_328 = tpu.memref_slice %arg10[%dma_start3A_324, %dma_start3A_325, %dma_start3A_326, %dma_start3A_327] : memref<2x1x512x32xf32, #tpu.memory_space<vmem>> -> memref<1x1x512x32xf32, #tpu.memory_space<vmem>>
    %dma_start3A_329 = tpu.memref_squeeze %dma_start3A_328 : memref<1x1x512x32xf32, #tpu.memory_space<vmem>> -> memref<512x32xf32, #tpu.memory_space<vmem>>
    %dma_start3A_330 = arith.constant 64 : i32
    %dma_start3A_331 = tpu.memref_slice %arg6[%add3A_309, %dma_start3A_330] : memref<327680x96xf32, #tpu.memory_space<hbm>> -> memref<512x32xf32, #tpu.memory_space<hbm>>
    %dma_start3A_332 = arith.constant 64 : i32
    %dma_start3A_333 = tpu.memref_slice %arg6[%add3A_309, %dma_start3A_332] : memref<327680x96xf32, #tpu.memory_space<hbm>> -> memref<512x32xf32, #tpu.memory_space<hbm>>
    %dma_start3A_334 = arith.constant 0 : i32
    %dma_start3A_335 = arith.constant 0 : i32
    %dma_start3A_336 = tpu.memref_slice %arg10[%dma_start3A_324, %dma_start3A_325, %dma_start3A_334, %dma_start3A_335] : memref<2x1x512x32xf32, #tpu.memory_space<vmem>> -> memref<1x1x512x32xf32, #tpu.memory_space<vmem>>
    %dma_start3A_337 = tpu.memref_squeeze %dma_start3A_336 : memref<1x1x512x32xf32, #tpu.memory_space<vmem>> -> memref<512x32xf32, #tpu.memory_space<vmem>>
    tpu.enqueue_dma source(%dma_start3A_337 : memref<512x32xf32, #tpu.memory_space<vmem>>) target(%dma_start3A_333 : memref<512x32xf32, #tpu.memory_space<hbm>>) target_semaphore(%arg13 : memref<!tpu.dma_semaphore, #tpu.memory_space<semaphore_mem>>)
    %dma_wait3A_338 = arith.constant 19 : i32
    %dma_wait3A_339 = arith.constant 1 : i32
    %dma_wait3A_340 = arith.constant 0 : i32
    %dma_wait3A_341 = arith.constant 0 : i32
    %dma_wait3A_342 = arith.constant 0 : i32
    %dma_wait3A_343 = tpu.memref_slice %arg9[%dma_wait3A_339, %dma_wait3A_340, %dma_wait3A_341, %dma_wait3A_342] : memref<2x1x512x64xf32, #tpu.memory_space<vmem>> -> memref<1x1x512x64xf32, #tpu.memory_space<vmem>>
    %dma_wait3A_344 = tpu.memref_squeeze %dma_wait3A_343 : memref<1x1x512x64xf32, #tpu.memory_space<vmem>> -> memref<512x64xf32, #tpu.memory_space<vmem>>
    %dma_wait3A_345 = arith.constant 0 : i32
    %dma_wait3A_346 = tpu.memref_slice %arg7[%dma_wait3A_338, %dma_wait3A_345] : memref<20x512xi32, #tpu.memory_space<vmem>> -> memref<1x512xi32, #tpu.memory_space<vmem>>
    %dma_wait3A_347 = tpu.memref_squeeze %dma_wait3A_346 : memref<1x512xi32, #tpu.memory_space<vmem>> -> memref<512xi32, #tpu.memory_space<vmem>>
    %dma_wait3A_348 = arith.constant 0 : i32
    %dma_wait3A_349 = arith.constant 0 : i32
    %dma_wait3A_350 = tpu.memref_slice %arg4[%dma_wait3A_348, %dma_wait3A_349] : memref<1000000x64xf32, #tpu.memory_space<hbm>> -> memref<1000000x64xf32, #tpu.memory_space<hbm>>
    tpu.wait_indirect_dma semaphore(%arg12 : memref<!tpu.dma_semaphore, #tpu.memory_space<semaphore_mem>>) src(%dma_wait3A_350 : memref<1000000x64xf32, #tpu.memory_space<hbm>>) dst(%dma_wait3A_344 : memref<512x64xf32, #tpu.memory_space<vmem>>)
    %dma_wait3A_351 = arith.constant 19 : i32
    %dma_wait3A_352 = arith.constant 1 : i32
    %dma_wait3A_353 = arith.constant 0 : i32
    %dma_wait3A_354 = arith.constant 0 : i32
    %dma_wait3A_355 = arith.constant 0 : i32
    %dma_wait3A_356 = tpu.memref_slice %arg10[%dma_wait3A_352, %dma_wait3A_353, %dma_wait3A_354, %dma_wait3A_355] : memref<2x1x512x32xf32, #tpu.memory_space<vmem>> -> memref<1x1x512x32xf32, #tpu.memory_space<vmem>>
    %dma_wait3A_357 = tpu.memref_squeeze %dma_wait3A_356 : memref<1x1x512x32xf32, #tpu.memory_space<vmem>> -> memref<512x32xf32, #tpu.memory_space<vmem>>
    %dma_wait3A_358 = arith.constant 0 : i32
    %dma_wait3A_359 = tpu.memref_slice %arg8[%dma_wait3A_351, %dma_wait3A_358] : memref<20x512xi32, #tpu.memory_space<vmem>> -> memref<1x512xi32, #tpu.memory_space<vmem>>
    %dma_wait3A_360 = tpu.memref_squeeze %dma_wait3A_359 : memref<1x512xi32, #tpu.memory_space<vmem>> -> memref<512xi32, #tpu.memory_space<vmem>>
    %dma_wait3A_361 = arith.constant 0 : i32
    %dma_wait3A_362 = arith.constant 0 : i32
    %dma_wait3A_363 = tpu.memref_slice %arg5[%dma_wait3A_361, %dma_wait3A_362] : memref<100000x32xf32, #tpu.memory_space<hbm>> -> memref<100000x32xf32, #tpu.memory_space<hbm>>
    tpu.wait_indirect_dma semaphore(%arg12 : memref<!tpu.dma_semaphore, #tpu.memory_space<semaphore_mem>>) src(%dma_wait3A_363 : memref<100000x32xf32, #tpu.memory_space<hbm>>) dst(%dma_wait3A_357 : memref<512x32xf32, #tpu.memory_space<vmem>>)
    %add3A_364 = arith.constant 9216 : i32
    %add3A_365 = arith.addi %mul3A_2, %add3A_364 : i32
    %dma_wait3A_366 = arith.constant 0 : i32
    %dma_wait3A_367 = arith.constant 0 : i32
    %dma_wait3A_368 = arith.constant 0 : i32
    %dma_wait3A_369 = arith.constant 0 : i32
    %dma_wait3A_370 = tpu.memref_slice %arg9[%dma_wait3A_366, %dma_wait3A_367, %dma_wait3A_368, %dma_wait3A_369] : memref<2x1x512x64xf32, #tpu.memory_space<vmem>> -> memref<1x1x512x64xf32, #tpu.memory_space<vmem>>
    %dma_wait3A_371 = tpu.memref_squeeze %dma_wait3A_370 : memref<1x1x512x64xf32, #tpu.memory_space<vmem>> -> memref<512x64xf32, #tpu.memory_space<vmem>>
    %dma_wait3A_372 = arith.constant 0 : i32
    %dma_wait3A_373 = tpu.memref_slice %arg6[%add3A_365, %dma_wait3A_372] : memref<327680x96xf32, #tpu.memory_space<hbm>> -> memref<512x64xf32, #tpu.memory_space<hbm>>
    %dma_wait3A_374 = arith.constant 0 : i32
    %dma_wait3A_375 = tpu.memref_slice %arg6[%add3A_365, %dma_wait3A_374] : memref<327680x96xf32, #tpu.memory_space<hbm>> -> memref<512x64xf32, #tpu.memory_space<hbm>>
    %dma_wait3A_376 = arith.constant 0 : i32
    %dma_wait3A_377 = arith.constant 0 : i32
    %dma_wait3A_378 = tpu.memref_slice %arg9[%dma_wait3A_366, %dma_wait3A_367, %dma_wait3A_376, %dma_wait3A_377] : memref<2x1x512x64xf32, #tpu.memory_space<vmem>> -> memref<1x1x512x64xf32, #tpu.memory_space<vmem>>
    %dma_wait3A_379 = tpu.memref_squeeze %dma_wait3A_378 : memref<1x1x512x64xf32, #tpu.memory_space<vmem>> -> memref<512x64xf32, #tpu.memory_space<vmem>>
    tpu.wait_dma2 semaphore(%arg13 : memref<!tpu.dma_semaphore, #tpu.memory_space<semaphore_mem>>) src(%dma_wait3A_379 : memref<512x64xf32, #tpu.memory_space<vmem>>) dst(%dma_wait3A_375 : memref<512x64xf32, #tpu.memory_space<hbm>>)
    %dma_wait3A_380 = arith.constant 0 : i32
    %dma_wait3A_381 = arith.constant 0 : i32
    %dma_wait3A_382 = arith.constant 0 : i32
    %dma_wait3A_383 = arith.constant 0 : i32
    %dma_wait3A_384 = tpu.memref_slice %arg10[%dma_wait3A_380, %dma_wait3A_381, %dma_wait3A_382, %dma_wait3A_383] : memref<2x1x512x32xf32, #tpu.memory_space<vmem>> -> memref<1x1x512x32xf32, #tpu.memory_space<vmem>>
    %dma_wait3A_385 = tpu.memref_squeeze %dma_wait3A_384 : memref<1x1x512x32xf32, #tpu.memory_space<vmem>> -> memref<512x32xf32, #tpu.memory_space<vmem>>
    %dma_wait3A_386 = arith.constant 64 : i32
    %dma_wait3A_387 = tpu.memref_slice %arg6[%add3A_365, %dma_wait3A_386] : memref<327680x96xf32, #tpu.memory_space<hbm>> -> memref<512x32xf32, #tpu.memory_space<hbm>>
    %dma_wait3A_388 = arith.constant 64 : i32
    %dma_wait3A_389 = tpu.memref_slice %arg6[%add3A_365, %dma_wait3A_388] : memref<327680x96xf32, #tpu.memory_space<hbm>> -> memref<512x32xf32, #tpu.memory_space<hbm>>
    %dma_wait3A_390 = arith.constant 0 : i32
    %dma_wait3A_391 = arith.constant 0 : i32
    %dma_wait3A_392 = tpu.memref_slice %arg10[%dma_wait3A_380, %dma_wait3A_381, %dma_wait3A_390, %dma_wait3A_391] : memref<2x1x512x32xf32, #tpu.memory_space<vmem>> -> memref<1x1x512x32xf32, #tpu.memory_space<vmem>>
    %dma_wait3A_393 = tpu.memref_squeeze %dma_wait3A_392 : memref<1x1x512x32xf32, #tpu.memory_space<vmem>> -> memref<512x32xf32, #tpu.memory_space<vmem>>
    tpu.wait_dma2 semaphore(%arg13 : memref<!tpu.dma_semaphore, #tpu.memory_space<semaphore_mem>>) src(%dma_wait3A_393 : memref<512x32xf32, #tpu.memory_space<vmem>>) dst(%dma_wait3A_389 : memref<512x32xf32, #tpu.memory_space<hbm>>)
    %add3A_394 = arith.constant 9728 : i32
    %add3A_395 = arith.addi %mul3A_2, %add3A_394 : i32
    %dma_start3A_396 = arith.constant 1 : i32
    %dma_start3A_397 = arith.constant 0 : i32
    %dma_start3A_398 = arith.constant 0 : i32
    %dma_start3A_399 = arith.constant 0 : i32
    %dma_start3A_400 = tpu.memref_slice %arg9[%dma_start3A_396, %dma_start3A_397, %dma_start3A_398, %dma_start3A_399] : memref<2x1x512x64xf32, #tpu.memory_space<vmem>> -> memref<1x1x512x64xf32, #tpu.memory_space<vmem>>
    %dma_start3A_401 = tpu.memref_squeeze %dma_start3A_400 : memref<1x1x512x64xf32, #tpu.memory_space<vmem>> -> memref<512x64xf32, #tpu.memory_space<vmem>>
    %dma_start3A_402 = arith.constant 0 : i32
    %dma_start3A_403 = tpu.memref_slice %arg6[%add3A_395, %dma_start3A_402] : memref<327680x96xf32, #tpu.memory_space<hbm>> -> memref<512x64xf32, #tpu.memory_space<hbm>>
    %dma_start3A_404 = arith.constant 0 : i32
    %dma_start3A_405 = tpu.memref_slice %arg6[%add3A_395, %dma_start3A_404] : memref<327680x96xf32, #tpu.memory_space<hbm>> -> memref<512x64xf32, #tpu.memory_space<hbm>>
    %dma_start3A_406 = arith.constant 0 : i32
    %dma_start3A_407 = arith.constant 0 : i32
    %dma_start3A_408 = tpu.memref_slice %arg9[%dma_start3A_396, %dma_start3A_397, %dma_start3A_406, %dma_start3A_407] : memref<2x1x512x64xf32, #tpu.memory_space<vmem>> -> memref<1x1x512x64xf32, #tpu.memory_space<vmem>>
    %dma_start3A_409 = tpu.memref_squeeze %dma_start3A_408 : memref<1x1x512x64xf32, #tpu.memory_space<vmem>> -> memref<512x64xf32, #tpu.memory_space<vmem>>
    tpu.enqueue_dma source(%dma_start3A_409 : memref<512x64xf32, #tpu.memory_space<vmem>>) target(%dma_start3A_405 : memref<512x64xf32, #tpu.memory_space<hbm>>) target_semaphore(%arg14 : memref<!tpu.dma_semaphore, #tpu.memory_space<semaphore_mem>>)
    %dma_start3A_410 = arith.constant 1 : i32
    %dma_start3A_411 = arith.constant 0 : i32
    %dma_start3A_412 = arith.constant 0 : i32
    %dma_start3A_413 = arith.constant 0 : i32
    %dma_start3A_414 = tpu.memref_slice %arg10[%dma_start3A_410, %dma_start3A_411, %dma_start3A_412, %dma_start3A_413] : memref<2x1x512x32xf32, #tpu.memory_space<vmem>> -> memref<1x1x512x32xf32, #tpu.memory_space<vmem>>
    %dma_start3A_415 = tpu.memref_squeeze %dma_start3A_414 : memref<1x1x512x32xf32, #tpu.memory_space<vmem>> -> memref<512x32xf32, #tpu.memory_space<vmem>>
    %dma_start3A_416 = arith.constant 64 : i32
    %dma_start3A_417 = tpu.memref_slice %arg6[%add3A_395, %dma_start3A_416] : memref<327680x96xf32, #tpu.memory_space<hbm>> -> memref<512x32xf32, #tpu.memory_space<hbm>>
    %dma_start3A_418 = arith.constant 64 : i32
    %dma_start3A_419 = tpu.memref_slice %arg6[%add3A_395, %dma_start3A_418] : memref<327680x96xf32, #tpu.memory_space<hbm>> -> memref<512x32xf32, #tpu.memory_space<hbm>>
    %dma_start3A_420 = arith.constant 0 : i32
    %dma_start3A_421 = arith.constant 0 : i32
    %dma_start3A_422 = tpu.memref_slice %arg10[%dma_start3A_410, %dma_start3A_411, %dma_start3A_420, %dma_start3A_421] : memref<2x1x512x32xf32, #tpu.memory_space<vmem>> -> memref<1x1x512x32xf32, #tpu.memory_space<vmem>>
    %dma_start3A_423 = tpu.memref_squeeze %dma_start3A_422 : memref<1x1x512x32xf32, #tpu.memory_space<vmem>> -> memref<512x32xf32, #tpu.memory_space<vmem>>
    tpu.enqueue_dma source(%dma_start3A_423 : memref<512x32xf32, #tpu.memory_space<vmem>>) target(%dma_start3A_419 : memref<512x32xf32, #tpu.memory_space<hbm>>) target_semaphore(%arg14 : memref<!tpu.dma_semaphore, #tpu.memory_space<semaphore_mem>>)
    %add3A_424 = arith.constant 9728 : i32
    %add3A_425 = arith.addi %mul3A_2, %add3A_424 : i32
    %dma_wait3A_426 = arith.constant 1 : i32
    %dma_wait3A_427 = arith.constant 0 : i32
    %dma_wait3A_428 = arith.constant 0 : i32
    %dma_wait3A_429 = arith.constant 0 : i32
    %dma_wait3A_430 = tpu.memref_slice %arg9[%dma_wait3A_426, %dma_wait3A_427, %dma_wait3A_428, %dma_wait3A_429] : memref<2x1x512x64xf32, #tpu.memory_space<vmem>> -> memref<1x1x512x64xf32, #tpu.memory_space<vmem>>
    %dma_wait3A_431 = tpu.memref_squeeze %dma_wait3A_430 : memref<1x1x512x64xf32, #tpu.memory_space<vmem>> -> memref<512x64xf32, #tpu.memory_space<vmem>>
    %dma_wait3A_432 = arith.constant 0 : i32
    %dma_wait3A_433 = tpu.memref_slice %arg6[%add3A_425, %dma_wait3A_432] : memref<327680x96xf32, #tpu.memory_space<hbm>> -> memref<512x64xf32, #tpu.memory_space<hbm>>
    %dma_wait3A_434 = arith.constant 0 : i32
    %dma_wait3A_435 = tpu.memref_slice %arg6[%add3A_425, %dma_wait3A_434] : memref<327680x96xf32, #tpu.memory_space<hbm>> -> memref<512x64xf32, #tpu.memory_space<hbm>>
    %dma_wait3A_436 = arith.constant 0 : i32
    %dma_wait3A_437 = arith.constant 0 : i32
    %dma_wait3A_438 = tpu.memref_slice %arg9[%dma_wait3A_426, %dma_wait3A_427, %dma_wait3A_436, %dma_wait3A_437] : memref<2x1x512x64xf32, #tpu.memory_space<vmem>> -> memref<1x1x512x64xf32, #tpu.memory_space<vmem>>
    %dma_wait3A_439 = tpu.memref_squeeze %dma_wait3A_438 : memref<1x1x512x64xf32, #tpu.memory_space<vmem>> -> memref<512x64xf32, #tpu.memory_space<vmem>>
    tpu.wait_dma2 semaphore(%arg14 : memref<!tpu.dma_semaphore, #tpu.memory_space<semaphore_mem>>) src(%dma_wait3A_439 : memref<512x64xf32, #tpu.memory_space<vmem>>) dst(%dma_wait3A_435 : memref<512x64xf32, #tpu.memory_space<hbm>>)
    %dma_wait3A_440 = arith.constant 1 : i32
    %dma_wait3A_441 = arith.constant 0 : i32
    %dma_wait3A_442 = arith.constant 0 : i32
    %dma_wait3A_443 = arith.constant 0 : i32
    %dma_wait3A_444 = tpu.memref_slice %arg10[%dma_wait3A_440, %dma_wait3A_441, %dma_wait3A_442, %dma_wait3A_443] : memref<2x1x512x32xf32, #tpu.memory_space<vmem>> -> memref<1x1x512x32xf32, #tpu.memory_space<vmem>>
    %dma_wait3A_445 = tpu.memref_squeeze %dma_wait3A_444 : memref<1x1x512x32xf32, #tpu.memory_space<vmem>> -> memref<512x32xf32, #tpu.memory_space<vmem>>
    %dma_wait3A_446 = arith.constant 64 : i32
    %dma_wait3A_447 = tpu.memref_slice %arg6[%add3A_425, %dma_wait3A_446] : memref<327680x96xf32, #tpu.memory_space<hbm>> -> memref<512x32xf32, #tpu.memory_space<hbm>>
    %dma_wait3A_448 = arith.constant 64 : i32
    %dma_wait3A_449 = tpu.memref_slice %arg6[%add3A_425, %dma_wait3A_448] : memref<327680x96xf32, #tpu.memory_space<hbm>> -> memref<512x32xf32, #tpu.memory_space<hbm>>
    %dma_wait3A_450 = arith.constant 0 : i32
    %dma_wait3A_451 = arith.constant 0 : i32
    %dma_wait3A_452 = tpu.memref_slice %arg10[%dma_wait3A_440, %dma_wait3A_441, %dma_wait3A_450, %dma_wait3A_451] : memref<2x1x512x32xf32, #tpu.memory_space<vmem>> -> memref<1x1x512x32xf32, #tpu.memory_space<vmem>>
    %dma_wait3A_453 = tpu.memref_squeeze %dma_wait3A_452 : memref<1x1x512x32xf32, #tpu.memory_space<vmem>> -> memref<512x32xf32, #tpu.memory_space<vmem>>
    tpu.wait_dma2 semaphore(%arg14 : memref<!tpu.dma_semaphore, #tpu.memory_space<semaphore_mem>>) src(%dma_wait3A_453 : memref<512x32xf32, #tpu.memory_space<vmem>>) dst(%dma_wait3A_449 : memref<512x32xf32, #tpu.memory_space<hbm>>)
    return
  }
}

</mosaic_0001>

<sc_bundles>
// kernel: _lookup_concat_pipelined.3.cloned.1.call-start
scs
__scs_entry_jumppad:
0x0: {  	(pc) =	sbr.rel $0x88, $3  }
0x1: {  	(tag) =	ssettag $0x0;
	lr =	simm.s32 $0x1  }
0x2: {  	[smem:$0x3F9D] =	sst lr;
	_ =	strace $0xD0000000  }
0x3: {  	_ = 	snop  }
0x4: {  	_ = 	snop  }
0x5: {  	_ = 	snop  }
0x6: {  	_ = 	snop  }
0x7: {  	_ = 	snop  }
__scs_overlays_trampoline_lowered:
0x8: {  	[smem:$0x3FAC] =	sst s0  }
0x9: {  	[smem:$0x3FAD] =	sst s1  }
0xa: {  	[smem:$0x3FAE] =	sst s2  }
0xb: {  	[smem:$0x3FAF] =	sst s3  }
0xc: {  	[smem:$0x3FB0] =	sst s4  }
0xd: {  	[smem:$0x3FB1] =	sst s5  }
0xe: {  	[smem:$0x3FB2] =	sst s6  }
0xf: {  	[smem:$0x3FB3] =	sst s7  }
0x10: {  	[smem:$0x3FB4] =	sst s8  }
0x11: {  	[smem:$0x3FB5] =	sst s9;
	s0 =	simm.s32 @!p0 $0x0  }
0x12: {  	s1 =	sld [smem:$0x3F9B];
	s0 =	simm.s32 @p0 $0x1  }
0x13: {  	[smem:$0x3FB6] =	sst s0;
	s0 =	simm.s32 @!p1 $0x0  }
0x14: {  	s2 =	sld [smem:$0x3F9A];
	s0 =	simm.s32 @p1 $0x1  }
0x15: {  	[smem:$0x3FB7] =	sst s0;
	s0 =	simm.s32 @!p2 $0x0  }
0x16: {  	s3 =	sld [smem:$0x3FDB];
	s0 =	simm.s32 @p2 $0x1  }
0x17: {  	s4 =	simm.s32 $0x1BF5;
	[smem:$0x3FB9] =	sst s0  }
0x18: {  	s0 =	sld [smem:$0x3F9C];
	_ =	swait.ge [sflag:s4], $0x0  }
0x19: {  	s7 =	sld [smem:$0x3F9D]  }
0x1a: {  	s8 =	sadd.s32 $0xFFFFE003, lr  }
0x1b: {  	s9 =	sadd.s32 $0xFFFFFEF7, lr;
	s5 =	simm.s32 $0xFFFFFFFF;
	p2 =	slt.u32 s8, $0xFFFFF086  }
0x1c: {  	p1 =	slt.u32 s9, $0xF7A;
	s5 =	simm.s32 @!p2 $0x0  }
0x1d: {  	s5 =	simm.s32 @p1 $0x1;
	p0 =	seq.s32 s7, s2  }
0x1e: {  	s7 =	smul.u32 @!p0 $0xF7A, s2;
	p2 =	seq.s32 @!p0 s5, $0x0  }
0x1f: {  	s9 =	smul.u32 $0xF7A, s1;
	s8 =	simm.s32 @!p0 $0x1BF5;
	p2 =	por !p2, p0  }
0x20: {  	[sflag:s8] =	ssyncset.s32 @!p0 $0xFFFFF086;
	s6 =	sadd.s32 @!p0 s3, s7;
	s7 =	simm.s32 @!p0 $0x108  }
0x21: {  	s3 =	sadd.s32 s3, s9;
	s6 =	sadd.s32 @!p0 $0x88, s6;
	s7 =	simm.s32 @p2 $0x1082  }
0x22: {  	[simem:s7], [sflag:s8] =	dma.local @!p0 [hbm:s6], $0xF7A  }
0x23: {  	s9 =	sor.u32 $0xD0000000, s2;
	s6 =	simm.s32 $0x108;
	_ =	swait.ge @!p0 [sflag:s8], $0x0  }
0x24: {  	s3 =	sadd.s32 $0x88, s3;
	s6 =	simm.s32 @!p1 $0x1082;
	[sflag:s4] =	ssyncset.s32 $0xFFFFF086  }
0x25: {  	[simem:s6], [sflag:s4] =	dma.local [hbm:s3], $0xF7A  }
0x26: {  	[smem:$0x3F9D] =	sst s1;
	(tag) =	ssettag s2;
	_ =	strace s9  }
0x27: {  	s1 =	sld [smem:$0x3FAD]  }
0x28: {  	s2 =	sld [smem:$0x3FAE]  }
0x29: {  	s4 =	sld [smem:$0x3FB0]  }
0x2a: {  	p0 =	seq.s32 s5, $0x0;
	s5 =	sld [smem:$0x3FB1]  }
0x2b: {  	s6 =	sld [smem:$0x3FB2]  }
0x2c: {  	s7 =	sld [smem:$0x3FB3]  }
0x2d: {  	s3 =	simm.s32 $0x108;
	s8 =	sld [smem:$0x3FB4]  }
0x2e: {  	s3 =	simm.s32 @!p0 $0x1082;
	s9 =	sld [smem:$0x3FB5]  }
0x2f: {  	lr =	sadd.s32 s0, s3;
	s0 =	sld [smem:$0x3FAC]  }
0x30: {  	s3 =	sld [smem:$0x3FAF]  }
0x31: {  	[smem:$0x3FB8] =	sst s10  }
0x32: {  	s10 =	sld [smem:$0x3FB6];
	_ =	sdelay $0x3  }
0x33: {  	p0 =	seq.s32 s10, $0x1;
	s10 =	sld [smem:$0x3FB8];
	_ =	sdelay $0x3  }
0x34: {  	[smem:$0x3FB8] =	sst s10  }
0x35: {  	s10 =	sld [smem:$0x3FB7];
	_ =	sdelay $0x3  }
0x36: {  	p1 =	seq.s32 s10, $0x1;
	s10 =	sld [smem:$0x3FB8];
	_ =	sdelay $0x3  }
0x37: {  	[smem:$0x3FB8] =	sst s10  }
0x38: {  	s10 =	sld [smem:$0x3FB9]  }
0x39: {  	_ = 	snop;
	(pc) =	sbr.ind lr, $3  }
0x3a: {  	_ = 	snop  }
0x3b: {  	_ = 	snop  }
0x3c: {  	p2 =	seq.s32 s10, $0x1;
	s10 =	sld [smem:$0x3FB8]  }
0x3d: {  	_ =	shalt  }
0x3e: {  	_ =	shalt  }
0x3f: {  	_ =	shalt  }
0x40: {  	_ =	shalt  }
0x41: {  	_ =	shalt  }
0x42: {  	_ =	shalt  }
0x43: {  	_ =	shalt  }
0x44: {  	_ =	shalt  }
0x45: {  	_ =	shalt  }
0x46: {  	_ =	shalt  }
0x47: {  	_ =	shalt  }
0x48: {  	_ =	shalt  }
0x49: {  	_ =	shalt  }
0x4a: {  	_ =	shalt  }
0x4b: {  	_ =	shalt  }
0x4c: {  	_ =	shalt  }
0x4d: {  	_ =	shalt  }
0x4e: {  	_ =	shalt  }
0x4f: {  	_ =	shalt  }
0x50: {  	_ =	shalt  }
0x51: {  	_ =	shalt  }
0x52: {  	_ =	shalt  }
0x53: {  	_ =	shalt  }
0x54: {  	_ =	shalt  }
0x55: {  	_ =	shalt  }
0x56: {  	_ =	shalt  }
0x57: {  	_ =	shalt  }
0x58: {  	_ =	shalt  }
0x59: {  	_ =	shalt  }
0x5a: {  	_ =	shalt  }
0x5b: {  	_ =	shalt  }
0x5c: {  	_ =	shalt  }
0x5d: {  	_ =	shalt  }
0x5e: {  	_ =	shalt  }
0x5f: {  	_ =	shalt  }
0x60: {  	_ =	shalt  }
0x61: {  	_ =	shalt  }
0x62: {  	_ =	shalt  }
0x63: {  	_ =	shalt  }
0x64: {  	_ =	shalt  }
0x65: {  	_ =	shalt  }
0x66: {  	_ =	shalt  }
0x67: {  	_ =	shalt  }
0x68: {  	_ =	shalt  }
0x69: {  	_ =	shalt  }
0x6a: {  	_ =	shalt  }
0x6b: {  	_ =	shalt  }
0x6c: {  	_ =	shalt  }
0x6d: {  	_ =	shalt  }
0x6e: {  	_ =	shalt  }
0x6f: {  	_ =	shalt  }
0x70: {  	_ =	shalt  }
0x71: {  	_ =	shalt  }
0x72: {  	_ =	shalt  }
0x73: {  	_ =	shalt  }
0x74: {  	_ =	shalt  }
0x75: {  	_ =	shalt  }
0x76: {  	_ =	shalt  }
0x77: {  	_ =	shalt  }
0x78: {  	_ =	shalt  }
0x79: {  	_ =	shalt  }
0x7a: {  	_ =	shalt  }
0x7b: {  	_ =	shalt  }
0x7c: {  	_ =	shalt  }
0x7d: {  	_ =	shalt  }
0x7e: {  	_ =	shalt  }
0x7f: {  	_ =	shalt  }
0x80: {  	_ =	shalt  }
0x81: {  	_ =	shalt  }
0x82: {  	_ =	shalt  }
0x83: {  	_ =	shalt  }
0x84: {  	_ =	shalt  }
0x85: {  	_ =	shalt  }
0x86: {  	_ =	shalt  }
0x87: {  	_ =	shalt  }
.Lfunc_end0:
.L_simem_size_0:
called_computation.1_lowered:
.L_overlay_start_0:
0x88: {  	s2 =	sld [smem:$0x3FD9]  }
0x89: {  	s3 =	sld [smem:$0x3FFE];
	_ =	sdelay $0x1  }
0x8a: {  	s1 =	srdreg.scid  }
0x8b: {  	s0 =	sand.u32 $0x1, s1  }
0x8c: {  	s17 =	sshll.u32 s0, $0xA;
	s2 =	sadd.s32 s3, s2  }
0x8d: {  	s2 =	sadd.s32 s2, s17  }
0x8e: {  	[smem:$0x3FC4] =	sst s2  }
0x8f: {  	_ = 	snop  }
0x90: {  	s2 =	sld [smem:$0x3FD0];
	(tm) =	ssettm $0x1  }
0x91: {  	s18 =	sld [smem:$0x3FFB];
	_ =	sdelay $0x3  }
0x92: {  	_ =	strace s18  }
0x93: {  	s3 =	sld [smem:$0x3FFC];
	_ =	sdelay $0x3  }
0x94: {  	_ =	strace s3  }
0x95: {  	s3 =	sld [smem:$0x3FFD];
	_ =	sdelay $0x3  }
0x96: {  	_ =	strace s3  }
0x97: {  	_ =	strace $0x8FFFFFFF  }
0x98: {  	s19 =	sld [smem:$0x3FDB];
	_ =	sdelay $0x1  }
0x99: {  	s4 =	simm.s32 $_scs_section_size  }
0x9a: {  	s5 =	simm.s32 $_size__tile_overlayer_lowered;
	s6 =	simm.s32 $_tile_overlayer_lowered  }
0x9b: {  	s22 =	simm.s32 $0x1BFF;
	s21 =	sshll.u32 s6, $0x1;
	s3 =	sadd.s32 s4, s19  }
0x9c: {  	s7 =	simm.s32 $0x0;
	s20 =	sshll.u32 s5, $0x1;
	s5 =	sadd.s32 s21, s3  }
0x9d: {  	[timem:s7], [sflag:s22] =	dma.local [hbm:s5], s20  }
0x9e: {  	_ =	swait.ge [sflag:s22], s20  }
0x9f: {  	s4 =	ssub.s32 $0x0, s20;
	[sflag:s22] =	ssyncset.done $0x0  }
0xa0: {  	[sflag:s22] =	ssyncadd.s32 s4;
	_ =	sdelay $0x1  }
0xa1: {  	s23 =	simm.s32 $0x1B8B  }
0xa2: {  	_ =	swait.ge [sflag:s23], $0x1  }
0xa3: {  	[sflag:s23] =	ssyncset.done $0x0  }
0xa4: {  	s25 =	simm.s32 $0x1B8E;
	s24 =	sld [smem:$0x3FFE];
	[sflag:s23] =	ssyncadd.s32 $0xFFFFFFFF  }
0xa5: {  	s26 =	simm.s32 $execute0_lowered;
	[smem:$0x3FD2] =	sst s25  }
0xa6: {  	s5 =	sshll.u32 s26, $0x1;
	_ =	strace $0x80000046;
	[dreg:$0x1] =	wrdreg $0xFFFFFFFF  }
0xa7: {  	s28 =	simm.s32 $_size_execute0_lowered;
	s3 =	sadd.s32 s3, s5;
	[dreg:$0x0] =	wrdreg $0x0  }
0xa8: {  	s5 =	sshll.u32 s28, $0x1;
	[dreg:$0x2] =	wrdreg s3  }
0xa9: {  	[dreg:$0x3] =	wrdreg s5  }
0xaa: {  	[dreg:$0x4] =	wrdreg $0xC0  }
0xab: {  	_ =	task [dreg:s7], $0x5FFFF  }
0xac: {  	[dreg:$0x1] =	wrdreg $0xFFFFFFFF  }
0xad: {  	[dreg:$0x0] =	wrdreg $0x60  }
0xae: {  	[dreg:$0x2] =	wrdreg s24  }
0xaf: {  	[dreg:$0x3] =	wrdreg s2  }
0xb0: {  	[dreg:$0x4] =	wrdreg $0x9  }
0xb1: {  	_ =	task.clear_ibuf [dreg:s7], $0x5FFFF;
	_ =	strace $0x90000046  }
0xb2: {  	s29 =	simm.s32 $0x9;
	_ =	strace $0x80000048  }
0xb3: {  	_ =	swait.ge [sflag:s29], $0x1  }
0xb4: {  	[sflag:s29] =	ssyncadd.s32 $0xFFFFFFFF  }
0xb5: {  	_ =	strace $0x90000048  }
0xb6: {  	_ =	sfence  }
0xb7: {  	s30 =	sld [smem:$0x0];
	_ =	sdelay $0x2  }
0xb8: {  	s31 =	sshll.u32 s1, $0xD;
	s1 =	sshrl.u32 s1, $0x2  }
0xb9: {  	s3 =	sand.u32 $0x4000, s31;
	s1 =	sadd.s32 s1, s30  }
0xba: {  	s0 =	sor.u32 s3, s0;
	s1 =	sshll.u32 s1, $0x11  }
0xbb: {  	s0 =	sor.u32 s1, s0  }
0xbc: {  	s0 =	sadd.s32 $0x8F2B, s0  }
0xbd: {  	[sflag:s0] =	ssyncadd.remote.s32 $0x1  }
0xbe: {  	_ =	sfence.sel $0xFFFF  }
0xbf: {  	[dreg:$0x0] =	wrdreg $0xFFFFFFFF;
	(pc) =	sbr.abs _section_cstart, $3  }
0xc0: {  	[dreg:$0x1] =	wrdreg $0xFFFFFFFF  }
0xc1: {  	_ =	task.clear_ibuf [dreg:s7], $0x2FFFF;
	_ =	strace $0x9FFFFFFF  }
0xc2: {  	(tm) =	ssettm $0x7FFFFFFF  }
0xc3: {  	_ =	shalt  }
tec
execute0_lowered:
.L_overlay_start_1:
0x0: {  	(tag) =	ssettag $0x1  }
0x1: {  	s0 =	srdreg.scid  }
0x2: {  	s9 =	stileid.u32;
	s1 =	rddreg [dreg:$0x0]  }
0x3: {  	s5 =	rddreg [dreg:$0x1];
	s17 =	simm.s32 $0x5;
	s18 =	simm.s32 $0x2800  }
0x4: {  	s19 =	simm.s32 $0x200;
	s20 =	simm.s32 $0x5000;
	s28 =	simm.s32 $0x60  }
0x5: {  	s29 =	simm.s32 $0x20;
	s0 =	sand.u32 $0x1, s0;
	s2 =	sshll.u32 s9, $0x1  }
0x6: {  	s30 =	simm.s32 $0x2;
	s25 =	smul.u32 $0x3C000, s9;
	s3 =	sor.u32 s0, s2  }
0x7: {  	s2 =	simm.s32 $0x0;
	s8 =	ssub.s32 $0x2, s0;
	s0 =	smul.u32 $0x1E000, s0  }
0x8: {  	s31 =	simm.s32 $0x3;
	s4 =	smul.u32 $0x2800, s3;
	[smem:$0x7FF] =	sst s2  }
0x9: {  	s6 =	smul.u32 $0xF0000, s3;
	s3 =	sadd.s32 $0xF43200, s1;
	s21 =	sshrl.u32 s8, $0x1  }
0xa: {  	s26 =	sadd.s32 s25, s5;
	s25 =	simm.s32 $0x19000;
	_ =	strace $0x80000047  }
0xb: {  	s16 =	sadd.s32 s0, s26;
	s26 =	simm.s32 $0x40;
	s4 =	sshrl.u32 s4, $0x3  }
0xc: {  	s6 =	sshrl.u32 s6, $0x3;
	s7 =	sadd.s32 s4, s1;
	s4 =	sadd.s32 $0xE00, s1  }
0xd: {  	s1 =	ssub.s32 s8, s21;
	s6 =	sadd.s32 s5, s6;
	s21 =	simm.s32 $0x15000  }
0xe: {  	s22 =	sadd.s32 $0x6CA00, s7;
	s7 =	sadd.s32 $0x62A00, s7;
	s23 =	sadd.s32 $0x8, s6  }
0xf: {  	s24 =	sadd.s32 $0x1800, s6;
	s10 =	sadd.s32 $0x1808, s6;
	[dreg:$0x3] =	wrdreg s22  }
0x10: {  	s11 =	sadd.s32 $0x1B000, s6;
	s12 =	sadd.s32 $0x1B008, s6;
	[dreg:$0x4] =	wrdreg s7  }
0x11: {  	s13 =	sadd.s32 $0x1C800, s6;
	s14 =	sadd.s32 $0x1C808, s6;
	[dreg:$0x5] =	wrdreg s23  }
0x12: {  	s15 =	smax.u32 s1, $0x1;
	s1 =	simm.s32 $0x0;
	[dreg:$0x6] =	wrdreg s24  }
0x13: {  	s22 =	simm.s32 $0x1;
	s23 =	simm.s32 $0xD000;
	s24 =	simm.s32 $0x4  }
.LBB2_1:
0x14: {  	s0 =	rddreg [dreg:$0x3]  }
0x15: {  	[tilespmem:s2], [sflag:$0x5] =	stream.linear.gather [hbm4b:s0+s2], $0x2800, $0x38;
	[tilespmem:$0x1D000] =	vst v63  }
0x16: {  	_ =	swait.ge [sflag:s17], $0x2800  }
0x17: {  	[sflag:s17] =	ssyncset.done $0x0  }
0x18: {  	s8 =	rddreg [dreg:$0x4];
	[sflag:s17] =	ssyncadd.s32 $0xFFFFD800  }
0x19: {  	[tilespmem:s18], [sflag:$0x5] =	stream.linear.gather [hbm4b:s8+s2], $0x2800, $0x38;
	[tilespmem:$0x1D000] =	vst v63  }
0x1a: {  	_ =	swait.ge [sflag:s17], $0x2800  }
0x1b: {  	[sflag:s17] =	ssyncset.done $0x0  }
0x1c: {  	[sflag:s17] =	ssyncadd.s32 $0xFFFFD800  }
0x1d: {  	[tilespmem:s20], [sflag:$0x1] =	stream.indirect.gather [hbm4b:s3+s19], $0x40, s2, s19, $0xb8;
	[tilespmem:$0x1D000] =	vst v63  }
0x1e: {  	_ = 	snop  }
0x1f: {  	[tilespmem:s21], [sflag:$0x1] =	stream.indirect.gather [hbm4b:s4+s19], $0x20, s18, s19, $0xb8;
	[tilespmem:$0x1D000] =	vst v63  }
0x20: {  	_ =	swait.ge [sflag:s22], $0x8000  }
0x21: {  	[sflag:s22] =	ssyncset.done $0x0  }
0x22: {  	[sflag:s22] =	ssyncadd.s32 $0xFFFF8000  }
0x23: {  	_ =	swait.ge [sflag:s22], $0x4000  }
0x24: {  	[sflag:s22] =	ssyncset.done $0x0  }
0x25: {  	[sflag:s22] =	ssyncadd.s32 $0xFFFFC000  }
0x26: {  	[tilespmem:s23], [sflag:$0x2] =	stream.indirect.gather [hbm4b:s3+s19], $0x40, s19, s19, $0xb8;
	[tilespmem:$0x1D000] =	vst v63  }
0x27: {  	s9 =	simm.s32 $0x2A00  }
0x28: {  	[tilespmem:s25], [sflag:$0x2] =	stream.indirect.gather [hbm4b:s4+s19], $0x20, s9, s19, $0xb8;
	[tilespmem:$0x1D000] =	vst v63  }
0x29: {  	_ = 	snop  }
0x2a: {  	[hbm4b:s6+s26] =	stream.strided.scatter [tilespmem:s20], [sflag:$0x3], $0x8000, s28, s26, $0x38;
	[tilespmem:$0x1D000] =	vst v63  }
0x2b: {  	s5 =	rddreg [dreg:$0x5]  }
0x2c: {  	[hbm4b:s5+s29] =	stream.strided.scatter [tilespmem:s21], [sflag:$0x3], $0x4000, s28, s29, $0x38;
	[tilespmem:$0x1D000] =	vst v63  }
0x2d: {  	_ =	swait.ge [sflag:s30], $0x8000  }
0x2e: {  	[sflag:s30] =	ssyncset.done $0x0  }
0x2f: {  	[sflag:s30] =	ssyncadd.s32 $0xFFFF8000  }
0x30: {  	_ =	swait.ge [sflag:s30], $0x4000  }
0x31: {  	[sflag:s30] =	ssyncset.done $0x0  }
0x32: {  	[sflag:s30] =	ssyncadd.s32 $0xFFFFC000  }
0x33: {  	_ =	swait.ge [sflag:s31], $0x8000  }
0x34: {  	[sflag:s31] =	ssyncset.done $0x0  }
0x35: {  	[sflag:s31] =	ssyncadd.s32 $0xFFFF8000  }
0x36: {  	_ =	swait.ge [sflag:s31], $0x4000  }
0x37: {  	[sflag:s31] =	ssyncset.done $0x0  }
0x38: {  	s7 =	simm.s32 $0x400;
	[sflag:s31] =	ssyncadd.s32 $0xFFFFC000  }
0x39: {  	[tilespmem:s20], [sflag:$0x1] =	stream.indirect.gather [hbm4b:s3+s19], $0x40, s7, s19, $0xb8;
	[tilespmem:$0x1D000] =	vst v63  }
0x3a: {  	s8 =	simm.s32 $0x2C00  }
0x3b: {  	[tilespmem:s21], [sflag:$0x1] =	stream.indirect.gather [hbm4b:s4+s19], $0x20, s8, s19, $0xb8;
	[tilespmem:$0x1D000] =	vst v63  }
0x3c: {  	s9 =	rddreg [dreg:$0x6]  }
0x3d: {  	[hbm4b:s9+s26] =	stream.strided.scatter [tilespmem:s23], [sflag:$0x4], $0x8000, s28, s26, $0x38;
	[tilespmem:$0x1D000] =	vst v63  }
0x3e: {  	_ = 	snop  }
0x3f: {  	[hbm4b:s10+s29] =	stream.strided.scatter [tilespmem:s25], [sflag:$0x4], $0x4000, s28, s29, $0x38;
	[tilespmem:$0x1D000] =	vst v63  }
0x40: {  	_ =	swait.ge [sflag:s22], $0x8000  }
0x41: {  	[sflag:s22] =	ssyncset.done $0x0  }
0x42: {  	[sflag:s22] =	ssyncadd.s32 $0xFFFF8000  }
0x43: {  	_ =	swait.ge [sflag:s22], $0x4000  }
0x44: {  	[sflag:s22] =	ssyncset.done $0x0  }
0x45: {  	[sflag:s22] =	ssyncadd.s32 $0xFFFFC000  }
0x46: {  	_ =	swait.ge [sflag:s24], $0x8000  }
0x47: {  	[sflag:s24] =	ssyncset.done $0x0  }
0x48: {  	[sflag:s24] =	ssyncadd.s32 $0xFFFF8000  }
0x49: {  	_ =	swait.ge [sflag:s24], $0x4000  }
0x4a: {  	[sflag:s24] =	ssyncset.done $0x0  }
0x4b: {  	s5 =	simm.s32 $0x600;
	[sflag:s24] =	ssyncadd.s32 $0xFFFFC000  }
0x4c: {  	[tilespmem:s23], [sflag:$0x2] =	stream.indirect.gather [hbm4b:s3+s19], $0x40, s5, s19, $0xb8;
	[tilespmem:$0x1D000] =	vst v63  }
0x4d: {  	s7 =	simm.s32 $0x2E00;
	s5 =	sadd.s32 $0x0, s16  }
0x4e: {  	[tilespmem:s25], [sflag:$0x2] =	stream.indirect.gather [hbm4b:s4+s19], $0x20, s7, s19, $0xb8;
	[tilespmem:$0x1D000] =	vst v63  }
0x4f: {  	s8 =	sadd.s32 $0x3000, s5  }
0x50: {  	[hbm4b:s8+s26] =	stream.strided.scatter [tilespmem:s20], [sflag:$0x3], $0x8000, s28, s26, $0x38;
	[tilespmem:$0x1D000] =	vst v63  }
0x51: {  	s9 =	sadd.s32 $0x3008, s5  }
0x52: {  	[hbm4b:s9+s29] =	stream.strided.scatter [tilespmem:s21], [sflag:$0x3], $0x4000, s28, s29, $0x38;
	[tilespmem:$0x1D000] =	vst v63  }
0x53: {  	_ =	swait.ge [sflag:s30], $0x8000  }
0x54: {  	[sflag:s30] =	ssyncset.done $0x0  }
0x55: {  	[sflag:s30] =	ssyncadd.s32 $0xFFFF8000  }
0x56: {  	_ =	swait.ge [sflag:s30], $0x4000  }
0x57: {  	[sflag:s30] =	ssyncset.done $0x0  }
0x58: {  	[sflag:s30] =	ssyncadd.s32 $0xFFFFC000  }
0x59: {  	_ =	swait.ge [sflag:s31], $0x8000  }
0x5a: {  	[sflag:s31] =	ssyncset.done $0x0  }
0x5b: {  	[sflag:s31] =	ssyncadd.s32 $0xFFFF8000  }
0x5c: {  	_ =	swait.ge [sflag:s31], $0x4000  }
0x5d: {  	[sflag:s31] =	ssyncset.done $0x0  }
0x5e: {  	s7 =	simm.s32 $0x800;
	[sflag:s31] =	ssyncadd.s32 $0xFFFFC000  }
0x5f: {  	[tilespmem:s20], [sflag:$0x1] =	stream.indirect.gather [hbm4b:s3+s19], $0x40, s7, s19, $0xb8;
	[tilespmem:$0x1D000] =	vst v63  }
0x60: {  	s0 =	simm.s32 $0x3000;
	s8 =	simm.s32 $0x3000;
	s9 =	sadd.s32 $0x4800, s5  }
0x61: {  	[tilespmem:s21], [sflag:$0x1] =	stream.indirect.gather [hbm4b:s4+s19], $0x20, s8, s19, $0xb8;
	[tilespmem:$0x1D000] =	vst v63  }
0x62: {  	s7 =	simm.s32 $0xA00;
	s8 =	sadd.s32 $0x4808, s5;
	s5 =	simm.s32 $0x3200  }
0x63: {  	[hbm4b:s9+s26] =	stream.strided.scatter [tilespmem:s23], [sflag:$0x4], $0x8000, s28, s26, $0x38;
	[tilespmem:$0x1D000] =	vst v63  }
.LBB2_2:
0x64: {  	[hbm4b:s8+s29] =	stream.strided.scatter [tilespmem:s25], [sflag:$0x4], $0x4000, s28, s29, $0x38;
	[tilespmem:$0x1D000] =	vst v63  }
0x65: {  	s8 =	smov.u32 s0  }
0x66: {  	p0 =	sne.s32 s0, $0x15000;
	s0 =	sadd.s32 $0x3000, s0;
	_ =	swait.ge [sflag:s22], $0x8000  }
0x67: {  	[sflag:s22] =	ssyncset.done $0x0  }
0x68: {  	[sflag:s22] =	ssyncadd.s32 $0xFFFF8000  }
0x69: {  	_ =	swait.ge [sflag:s22], $0x4000  }
0x6a: {  	[sflag:s22] =	ssyncset.done $0x0  }
0x6b: {  	[sflag:s22] =	ssyncadd.s32 $0xFFFFC000  }
0x6c: {  	_ =	swait.ge [sflag:s24], $0x8000  }
0x6d: {  	[sflag:s24] =	ssyncset.done $0x0  }
0x6e: {  	[sflag:s24] =	ssyncadd.s32 $0xFFFF8000  }
0x6f: {  	_ =	swait.ge [sflag:s24], $0x4000  }
0x70: {  	[sflag:s24] =	ssyncset.done $0x0  }
0x71: {  	[sflag:s24] =	ssyncadd.s32 $0xFFFFC000  }
0x72: {  	[tilespmem:s23], [sflag:$0x2] =	stream.indirect.gather [hbm4b:s3+s19], $0x40, s7, s19, $0xb8;
	[tilespmem:$0x1D000] =	vst v63  }
0x73: {  	s8 =	sadd.s32 s8, s16  }
0x74: {  	[tilespmem:s25], [sflag:$0x2] =	stream.indirect.gather [hbm4b:s4+s19], $0x20, s5, s19, $0xb8;
	[tilespmem:$0x1D000] =	vst v63  }
0x75: {  	s9 =	sadd.s32 $0x3000, s8  }
0x76: {  	[hbm4b:s9+s26] =	stream.strided.scatter [tilespmem:s20], [sflag:$0x3], $0x8000, s28, s26, $0x38;
	[tilespmem:$0x1D000] =	vst v63  }
0x77: {  	s9 =	sadd.s32 $0x3008, s8  }
0x78: {  	[hbm4b:s9+s29] =	stream.strided.scatter [tilespmem:s21], [sflag:$0x3], $0x4000, s28, s29, $0x38;
	[tilespmem:$0x1D000] =	vst v63  }
0x79: {  	_ =	swait.ge [sflag:s30], $0x8000  }
0x7a: {  	[sflag:s30] =	ssyncset.done $0x0  }
0x7b: {  	[sflag:s30] =	ssyncadd.s32 $0xFFFF8000  }
0x7c: {  	_ =	swait.ge [sflag:s30], $0x4000  }
0x7d: {  	[sflag:s30] =	ssyncset.done $0x0  }
0x7e: {  	[sflag:s30] =	ssyncadd.s32 $0xFFFFC000  }
0x7f: {  	_ =	swait.ge [sflag:s31], $0x8000  }
0x80: {  	[sflag:s31] =	ssyncset.done $0x0  }
0x81: {  	[sflag:s31] =	ssyncadd.s32 $0xFFFF8000  }
0x82: {  	_ =	swait.ge [sflag:s31], $0x4000  }
0x83: {  	[sflag:s31] =	ssyncset.done $0x0  }
0x84: {  	s9 =	sadd.s32 $0x200, s7;
	[sflag:s31] =	ssyncadd.s32 $0xFFFFC000  }
0x85: {  	[tilespmem:s20], [sflag:$0x1] =	stream.indirect.gather [hbm4b:s3+s19], $0x40, s9, s19, $0xb8;
	[tilespmem:$0x1D000] =	vst v63  }
.Ltmp0:
0x86: {  	s9 =	sadd.s32 $0x200, s5;
	(pc) =	sbr.rel @p0 .LBB2_2-.Ltmp0, $4  }
0x87: {  	[tilespmem:s21], [sflag:$0x1] =	stream.indirect.gather [hbm4b:s4+s19], $0x20, s9, s19, $0xb8;
	[tilespmem:$0x1D000] =	vst v63  }
0x88: {  	s9 =	sadd.s32 $0x4800, s8  }
0x89: {  	[hbm4b:s9+s26] =	stream.strided.scatter [tilespmem:s23], [sflag:$0x4], $0x8000, s28, s26, $0x38;
	[tilespmem:$0x1D000] =	vst v63  }
0x8a: {  	s7 =	sadd.s32 $0x400, s7;
	s5 =	sadd.s32 $0x400, s5;
	s8 =	sadd.s32 $0x4808, s8  }
0x8b: {  	[hbm4b:s8+s29] =	stream.strided.scatter [tilespmem:s25], [sflag:$0x4], $0x4000, s28, s29, $0x38;
	[tilespmem:$0x1D000] =	vst v63  }
0x8c: {  	_ =	swait.ge [sflag:s22], $0x8000  }
0x8d: {  	[sflag:s22] =	ssyncset.done $0x0  }
0x8e: {  	[sflag:s22] =	ssyncadd.s32 $0xFFFF8000  }
0x8f: {  	_ =	swait.ge [sflag:s22], $0x4000  }
0x90: {  	[sflag:s22] =	ssyncset.done $0x0  }
0x91: {  	[sflag:s22] =	ssyncadd.s32 $0xFFFFC000  }
0x92: {  	_ =	swait.ge [sflag:s24], $0x8000  }
0x93: {  	[sflag:s24] =	ssyncset.done $0x0  }
0x94: {  	[sflag:s24] =	ssyncadd.s32 $0xFFFF8000  }
0x95: {  	_ =	swait.ge [sflag:s24], $0x4000  }
0x96: {  	[sflag:s24] =	ssyncset.done $0x0  }
0x97: {  	s0 =	simm.s32 $0x2600;
	[sflag:s24] =	ssyncadd.s32 $0xFFFFC000  }
0x98: {  	[tilespmem:s23], [sflag:$0x2] =	stream.indirect.gather [hbm4b:s3+s19], $0x40, s0, s19, $0xb8;
	[tilespmem:$0x1D000] =	vst v63  }
0x99: {  	s9 =	simm.s32 $0x4E00  }
0x9a: {  	[tilespmem:s25], [sflag:$0x2] =	stream.indirect.gather [hbm4b:s4+s19], $0x20, s9, s19, $0xb8;
	[tilespmem:$0x1D000] =	vst v63  }
0x9b: {  	_ = 	snop  }
0x9c: {  	[hbm4b:s11+s26] =	stream.strided.scatter [tilespmem:s20], [sflag:$0x3], $0x8000, s28, s26, $0x38;
	[tilespmem:$0x1D000] =	vst v63  }
0x9d: {  	_ = 	snop  }
0x9e: {  	[hbm4b:s12+s29] =	stream.strided.scatter [tilespmem:s21], [sflag:$0x3], $0x4000, s28, s29, $0x38;
	[tilespmem:$0x1D000] =	vst v63  }
0x9f: {  	_ =	swait.ge [sflag:s30], $0x8000  }
0xa0: {  	[sflag:s30] =	ssyncset.done $0x0  }
0xa1: {  	[sflag:s30] =	ssyncadd.s32 $0xFFFF8000  }
0xa2: {  	_ =	swait.ge [sflag:s30], $0x4000  }
0xa3: {  	[sflag:s30] =	ssyncset.done $0x0  }
0xa4: {  	[sflag:s30] =	ssyncadd.s32 $0xFFFFC000  }
0xa5: {  	_ =	swait.ge [sflag:s31], $0x8000  }
0xa6: {  	[sflag:s31] =	ssyncset.done $0x0  }
0xa7: {  	[sflag:s31] =	ssyncadd.s32 $0xFFFF8000  }
0xa8: {  	_ =	swait.ge [sflag:s31], $0x4000  }
0xa9: {  	[sflag:s31] =	ssyncset.done $0x0  }
0xaa: {  	[sflag:s31] =	ssyncadd.s32 $0xFFFFC000  }
0xab: {  	[hbm4b:s13+s26] =	stream.strided.scatter [tilespmem:s23], [sflag:$0x4], $0x8000, s28, s26, $0x38;
	[tilespmem:$0x1D000] =	vst v63  }
0xac: {  	s1 =	sadd.s32 $0x1, s1  }
0xad: {  	[hbm4b:s14+s29] =	stream.strided.scatter [tilespmem:s25], [sflag:$0x4], $0x4000, s28, s29, $0x38;
	[tilespmem:$0x1D000] =	vst v63  }
0xae: {  	p0 =	sne.s32 s1, s15;
	_ =	swait.ge [sflag:s24], $0x8000  }
.Ltmp1:
0xaf: {  	[sflag:s24] =	ssyncset.done $0x0;
	(pc) =	sbr.rel @p0 .LBB2_1-.Ltmp1, $4  }
0xb0: {  	[sflag:s24] =	ssyncadd.s32 $0xFFFF8000  }
0xb1: {  	_ =	swait.ge [sflag:s24], $0x4000  }
0xb2: {  	[sflag:s24] =	ssyncset.done $0x0  }
0xb3: {  	[sflag:s24] =	ssyncadd.s32 $0xFFFFC000  }
0xb4: {  	_ =	sfence.sel $0x180000  }
0xb5: {  	[bflag:$0x0] =	sbarrier.arrive $0xFFFF  }
0xb6: {  	_ =	strace $0x90000047  }
0xb7: {  	s0 =	stileid.u32;
	[bflag:$0x2] =	sbarrier.arrive $0xFFFF  }
0xb8: {  	p0 =	sne.s32 s0, $0x0;
	s0 =	rddreg [dreg:$0x2]  }
0xb9: {  	s0 =	sadd.s32 @!p0 $0x100000, s0  }
0xba: {  	[sflag:s0] =	ssyncadd.tile.s32 @!p0 $0x1;
	_ =	shalt  }
.Lfunc_end2:
_tile_overlayer_lowered:
.L_overlay_start_2:
0xbb: {  	(tag) =	ssettag $0x2  }
0xbc: {  	s0 =	rddreg [dreg:$0x0];
	s2 =	stileid.u32  }
0xbd: {  	s1 =	rddreg [dreg:$0x1];
	p0 =	sne.s32 s2, $0x0  }
0xbe: {  	s3 =	rddreg [dreg:$0x2];
	[bflag:$0x3] =	sbarrier.arrive $0xFFFF;
	s2 =	simm.s32 @!p0 $0x1C05  }
0xbf: {  	[timem:s3], [sflag:s2] =	dma.local @!p0 [hbm:s0], s1  }
0xc0: {  	s0 =	simm.s32 @!p0 $0x5  }
0xc1: {  	_ =	swait.ge @!p0 [sflag:s0], s1  }
0xc2: {  	s1 =	ssub.s32 @!p0 $0x0, s1;
	[sflag:s0] =	ssyncset.done @!p0 $0x0  }
0xc3: {  	[sflag:s0] =	ssyncadd.s32 @!p0 s1  }
0xc4: {  	[bflag:$0x3] =	sbarrier.arrive $0xFFFF  }
0xc5: {  	_ =	shalt  }

// kernel: sparse-core-data-format-call.cloned.1.call-start
scs
called_computation_lowered:
.L_overlay_start_0:
0x0: {  	s2 =	sld [smem:$0x3FD9]  }
0x1: {  	s3 =	sld [smem:$0x3FFE];
	_ =	sdelay $0x1  }
0x2: {  	s1 =	srdreg.scid  }
0x3: {  	s0 =	sand.u32 $0x1, s1  }
0x4: {  	s18 =	sshll.u32 s0, $0xA;
	s2 =	sadd.s32 s3, s2  }
0x5: {  	s2 =	sadd.s32 s2, s18  }
0x6: {  	[smem:$0x3FC4] =	sst s2  }
0x7: {  	_ = 	snop  }
0x8: {  	s2 =	sld [smem:$0x3FD0];
	(tm) =	ssettm $0x1  }
0x9: {  	s19 =	sld [smem:$0x3FFB];
	_ =	sdelay $0x3  }
0xa: {  	_ =	strace s19  }
0xb: {  	s3 =	sld [smem:$0x3FFC];
	_ =	sdelay $0x3  }
0xc: {  	_ =	strace s3  }
0xd: {  	s3 =	sld [smem:$0x3FFD];
	_ =	sdelay $0x3  }
0xe: {  	_ =	strace s3  }
0xf: {  	_ =	strace $0x8FFFFFFF  }
0x10: {  	s20 =	sld [smem:$0x3FDB];
	_ =	sdelay $0x1  }
0x11: {  	s4 =	simm.s32 $_scs_section_size  }
0x12: {  	s5 =	simm.s32 $_size__tile_overlayer_lowered;
	s6 =	simm.s32 $_tile_overlayer_lowered  }
0x13: {  	s23 =	simm.s32 $0x1BFF;
	s22 =	sshll.u32 s6, $0x1;
	s3 =	sadd.s32 s4, s20  }
0x14: {  	s7 =	simm.s32 $0x0;
	s21 =	sshll.u32 s5, $0x1;
	s5 =	sadd.s32 s22, s3  }
0x15: {  	[timem:s7], [sflag:s23] =	dma.local [hbm:s5], s21  }
0x16: {  	_ =	swait.ge [sflag:s23], s21  }
0x17: {  	s4 =	ssub.s32 $0x0, s21;
	[sflag:s23] =	ssyncset.done $0x0  }
0x18: {  	[sflag:s23] =	ssyncadd.s32 s4;
	_ =	sdelay $0x1  }
0x19: {  	s24 =	simm.s32 $0x1B8B  }
0x1a: {  	_ =	swait.ge [sflag:s24], $0x1  }
0x1b: {  	[sflag:s24] =	ssyncset.done $0x0  }
0x1c: {  	s26 =	simm.s32 $0x1B8E;
	s25 =	sld [smem:$0x3FFE];
	[sflag:s24] =	ssyncadd.s32 $0xFFFFFFFF  }
0x1d: {  	s27 =	simm.s32 $execute0_lowered;
	[smem:$0x3FD2] =	sst s26  }
0x1e: {  	s5 =	sshll.u32 s27, $0x1;
	_ =	strace $0x80000049;
	[dreg:$0x1] =	wrdreg $0xFFFFFFFF  }
0x1f: {  	s28 =	simm.s32 $_size_execute0_lowered;
	s3 =	sadd.s32 s3, s5;
	[dreg:$0x0] =	wrdreg $0x0  }
0x20: {  	s5 =	sshll.u32 s28, $0x1;
	[dreg:$0x2] =	wrdreg s3  }
0x21: {  	[dreg:$0x3] =	wrdreg s5  }
0x22: {  	[dreg:$0x4] =	wrdreg $0xC0  }
0x23: {  	_ =	task [dreg:s7], $0x5FFFF  }
0x24: {  	[dreg:$0x1] =	wrdreg $0xFFFFFFFF  }
0x25: {  	[dreg:$0x0] =	wrdreg $0x60  }
0x26: {  	[dreg:$0x2] =	wrdreg s25  }
0x27: {  	[dreg:$0x3] =	wrdreg s2  }
0x28: {  	[dreg:$0x4] =	wrdreg $0x9  }
0x29: {  	_ =	task.clear_ibuf [dreg:s7], $0x5FFFF;
	_ =	strace $0x90000049  }
0x2a: {  	s29 =	simm.s32 $0x9;
	_ =	strace $0x8000004B  }
0x2b: {  	_ =	swait.ge [sflag:s29], $0x1  }
0x2c: {  	[sflag:s29] =	ssyncadd.s32 $0xFFFFFFFF  }
0x2d: {  	_ =	strace $0x9000004B  }
0x2e: {  	_ =	sfence  }
0x2f: {  	s30 =	sld [smem:$0x0];
	_ =	sdelay $0x2  }
0x30: {  	s31 =	sshll.u32 s1, $0xD;
	s1 =	sshrl.u32 s1, $0x2  }
0x31: {  	s3 =	sand.u32 $0x4000, s31;
	s1 =	sadd.s32 s1, s30  }
0x32: {  	s0 =	sor.u32 s3, s0;
	s1 =	sshll.u32 s1, $0x11  }
0x33: {  	s0 =	sor.u32 s1, s0  }
0x34: {  	s0 =	sadd.s32 $0x8F2B, s0  }
0x35: {  	[sflag:s0] =	ssyncadd.remote.s32 $0x1  }
0x36: {  	_ =	sfence.sel $0xFFFF  }
0x37: {  	[dreg:$0x0] =	wrdreg $0xFFFFFFFF;
	(pc) =	sbr.abs _section_cstart, $3  }
0x38: {  	[dreg:$0x1] =	wrdreg $0xFFFFFFFF  }
0x39: {  	_ =	task.clear_ibuf [dreg:s7], $0x2FFFF;
	_ =	strace $0x9FFFFFFF  }
0x3a: {  	(tm) =	ssettm $0x7FFFFFFF  }
0x3b: {  	_ =	shalt  }
tec
execute0_lowered:
.L_overlay_start_1:
0x0: {  	(tag) =	ssettag $0x1  }
0x1: {  	s0 =	srdreg.scid  }
0x2: {  	s5 =	rddreg [dreg:$0x0];
	s1 =	sshll.u32 s0, $0x4  }
0x3: {  	s2 =	rddreg [dreg:$0x1];
	s0 =	stileid.u32;
	s1 =	sand.u32 $0x10, s1  }
0x4: {  	s4 =	simm.s32 $0x1;
	s8 =	simm.s32 $0x2;
	s1 =	sor.u32 s0, s1  }
0x5: {  	s12 =	simm.s32 $0x0;
	s9 =	simm.s32 $0x0;
	s3 =	sshll.u32 s1, $0x7  }
0x6: {  	s11 =	simm.s32 $0x0;
	s5 =	sadd.s32 $0xE00, s5;
	s6 =	ssub.s32 $0x50000, s3  }
.Ltmp0:
0x7: {  	s1 =	rddreg [dreg:$0x2];
	s7 =	sand.u32 $0xF80, s6;
	(pc) =	sbr.rel .LBB1_1-.Ltmp0, $4  }
0x8: {  	_ =	strace $0x8000004A;
	p0 =	sne.s32 s7, $0x0;
	s7 =	simm.s32 $0x1  }
0x9: {  	[sflag:s4] =	ssyncpa.u1 $0x0;
	s6 =	sshrl.u32 s6, $0xC;
	s7 =	simm.s32 @!p0 $0x0  }
0xa: {  	s10 =	smov.u32 s3;
	[sflag:s8] =	ssyncpa.u1 $0x0;
	s6 =	sadd.s32 s7, s6  }
0xb: {  	s8 =	simm.s32 $0x280000;
	p0 =	por $0x0, $0x0;
	s7 =	sadd.s32 $0x1, s6  }
.LBB1_4:
0xc: {  	s18 =	sshll.u32 s9, $0x3  }
0xd: {  	s19 =	sand.u32 $0x7F, s9;
	s20 =	sand.u32 $0xFFFFFC00, s18;
	s18 =	smulhi.u32 $0xCCCCCCCD, s18  }
0xe: {  	v5 =	vld [tilespmem:s14+$0xFFFFFFD0];
	[tilespmem:s16+$0x2040 ss:$0x81] =	vst.msk $0xffff, v3;
	s19 =	sor.u32 s19, s20  }
0xf: {  	v58 =	vld [tilespmem:s14+$0xFFFFFFE0];
	[tilespmem:s16+$0x2850 ss:$0x81] =	vst.msk $0xffff, v4;
	s20 =	smulhi.u32 $0xCCCCCCCD, s19;
	s18 =	sshrl.u32 s18, $0x12  }
0x10: {  	s17 =	sshra.s32 s17, $0x2;
	v59 =	vld [tilespmem:s14+$0xFFFFFFF0];
	[tilespmem:s16+$0x3060 ss:$0x81] =	vst.msk $0xffff, v2;
	p1 =	sgt.s32 s9, $0x4FF80;
	s21 =	smul.u32 $0x2AAB, s18  }
0x11: {  	v60 =	vld [tilespmem:s14+$0x0];
	[tilespmem:s16+$0x0 ss:$0x81] =	vst.msk $0xffff, v0;
	s26 =	sshra.s32 s9, $0x1F;
	s15 =	sadd.s32 s17, s15;
	s20 =	sshrl.u32 s20, $0x12  }
0x12: {  	v61 =	vld [tilespmem:s14+$0x10];
	[tilespmem:s15+$0x3870 ss:$0x81] =	vst.msk $0xffff, v1;
	s24 =	smul.u32 $0x50000, s20;
	s25 =	sshrl.u32 s21, $0x14;
	s20 =	smov.u32 s9  }
0x13: {  	v62 =	vld [tilespmem:s14+$0x20];
	[tilespmem:s15+$0x810 ss:$0x81] =	vst.msk $0xffff, v5;
	s21 =	sand.u32 s26, s9;
	s17 =	smul.u32 $0x60, s25;
	s20 =	simm.s32 @!p1 $0x4FF80  }
0x14: {  	v63 =	vld [tilespmem:s14+$0xFFFFFFC0];
	[tilespmem:s15+$0x1020 ss:$0x81] =	vst.msk $0xffff, v58;
	s27 =	ssub.s32 s19, s24;
	s28 =	ssub.s32 s20, s21  }
0x15: {  	[tilespmem:s15+$0x1830 ss:$0x81] =	vst.msk $0xffff, v59;
	s17 =	ssub.s32 s18, s17;
	s29 =	sadd.s32 $0xFFFB0080, s28;
	s16 =	ssub.s32 $0x50000, s28  }
0x16: {  	[tilespmem:s15+$0x2040 ss:$0x81] =	vst.msk $0xffff, v60;
	s30 =	sshrl.u32 s27, $0x3;
	s17 =	sand.u32 $0xFFFF, s17;
	s16 =	smul.u32 $0x180, s16  }
0x17: {  	[tilespmem:s15+$0x2850 ss:$0x81] =	vst.msk $0xffff, v61;
	s14 =	sand.u32 $0x7, s27;
	p1 =	sgt.s32 s29, $0x7F;
	s17 =	smul.u32 $0xA000, s17  }
0x18: {  	[tilespmem:s15+$0x3060 ss:$0x81] =	vst.msk $0xffff, v62;
	s18 =	sadd.s32 s2, s30;
	s14 =	sshll.u32 s14, $0x12;
	s16 =	sshrl.u32 s16, $0x2  }
0x19: {  	[tilespmem:s15+$0x0 ss:$0x81] =	vst.msk $0xffff, v63;
	s14 =	sor.u32 $0x400, s14;
	s16 =	simm.s32 @p1 $0x0;
	s31 =	sadd.s32 s17, s18  }
0x1a: {  	[hbm4b:s31+s14] =	stream.strided.scatter [tilespmem:s13], [sflag:$0x2], s16, s8, s14, $0x20;
	[tilespmem:$0x10100] =	vst v63  }
.LBB1_5:
0x1b: {  	p1 =	slt.u32 s11, $0x2  }
0x1c: {  	p2 =	sgt.s32 @!p1 s12, $0x4FF80  }
0x1d: {  	s13 =	smov.u32 s12;
	s14 =	sshra.s32 @!p1 s12, $0x1F;
	p2 =	por !p2, p1  }
0x1e: {  	s12 =	sand.u32 @!p1 s14, s12;
	s13 =	simm.s32 @p2 $0x4FF80  }
0x1f: {  	s12 =	ssub.s32 @!p1 s13, s12  }
0x20: {  	s13 =	ssub.s32 @!p1 $0x50000, s12  }
0x21: {  	s12 =	sadd.s32 @!p1 $0xFFFB0080, s12;
	s13 =	smul.u32 @!p1 $0x180, s13  }
0x22: {  	p2 =	sgt.s32 @!p1 s12, $0x7F  }
0x23: {  	s14 =	sadd.s32 $0x1000, s10;
	p2 =	por !p2, p1;
	s12 =	sshrl.u32 @!p1 s13, $0x2  }
0x24: {  	s12 =	simm.s32 @!p2 $0x0;
	p2 =	sgt.s32 s14, $0x4FFFF  }
0x25: {  	s14 =	smov.u32 @p2 s3;
	p2 =	sne.s32 s11, s7  }
.Ltmp1:
0x26: {  	_ = 	snop;
	(pc) =	sbr.rel @!p2 .LBB1_6-.Ltmp1, $4  }
0x27: {  	s13 =	simm.s32 @!p1 $0x2  }
0x28: {  	p0 =	por !p0, !p0;
	_ =	swait.ge @!p1 [sflag:s13], s12;
	s15 =	ssub.s32 @!p1 $0x0, s12  }
0x29: {  	s12 =	smov.u32 s9;
	s11 =	sadd.s32 $0x1, s11;
	[sflag:s13] =	ssyncset.done @!p1 $0x0  }
0x2a: {  	s9 =	smov.u32 s10;
	s10 =	smov.u32 s14;
	[sflag:s13] =	ssyncadd.s32 @!p1 s15  }
.LBB1_1:
0x2b: {  	p1 =	sge.u32 s11, s6  }
0x2c: {  	s13 =	sand.u32 @!p1 $0x1FFFFFF, s10  }
0x2d: {  	s14 =	smulhi.u32 @!p1 $0xCCCCCD, s13;
	_ =	sdelay $0x1  }
0x2e: {  	s14 =	sshrl.u32 @!p1 s14, $0xA  }
0x2f: {  	s14 =	smul.u32 @!p1 $0x50000, s14;
	_ =	sdelay $0x1  }
0x30: {  	s15 =	sxor.u32 @!p1 $0xFFFFFFFF, s11;
	s13 =	ssub.s32 @!p1 s13, s14  }
0x31: {  	s31 =	sadd.s32 $0xFFFFFFFF, s11;
	s14 =	sshll.u32 @!p1 s15, $0xE;
	s13 =	sshll.u32 @!p1 s13, $0x4  }
0x32: {  	s15 =	simm.s32 @!p1 $0x0;
	s14 =	sand.u32 @!p1 $0x4000, s14;
	s13 =	sadd.s32 @!p1 s5, s13  }
0x33: {  	[tilespmem:s14], [sflag:$0x1] =	stream.linear.gather @!p1 [hbm4b:s13+s15], $0x4000, $0x38;
	[tilespmem:$0x10100] =	vst v63  }
0x34: {  	p1 =	sge.u32 s31, s6  }
.Ltmp2:
0x35: {  	_ = 	snop;
	(pc) =	sbr.rel @p1 .LBB1_5-.Ltmp2, $1  }
0x36: {  	_ =	sdelay $0x3  }
0x37: {  	s13 =	simm.s32 $0x1  }
0x38: {  	_ =	swait.ge [sflag:s4], $0x4000;
	s13 =	simm.s32 @!p0 $0x0  }
0x39: {  	[sflag:s4] =	ssyncset.done $0x0;
	s14 =	sshll.u32 s13, $0xE  }
0x3a: {  	[sflag:s4] =	ssyncadd.s32 $0xFFFFC000;
	s14 =	sor.u32 $0x40, s14  }
0x3b: {  	s13 =	smul.u32 $0x10200, s13;
	v0 =	vld [tilespmem:s14+$0x30]  }
0x3c: {  	v1 =	vld [tilespmem:s14+$0xFFFFFFD0]  }
0x3d: {  	s13 =	sshrl.u32 s13, $0x2;
	v5 =	vld [tilespmem:s14+$0xFFFFFFE0]  }
0x3e: {  	v6 =	vld [tilespmem:s14+$0xFFFFFFF0];
	s15 =	sor.u32 $0x8000, s13  }
0x3f: {  	s31 =	sand.u32 $0x1, s11;
	v3 =	vld [tilespmem:s14+$0x0];
	s16 =	sadd.s32 $0x0, s15  }
0x40: {  	v4 =	vld [tilespmem:s14+$0x10];
	s13 =	smul.u32 $0x10200, s31;
	[tilespmem:s16+$0x3870 ss:$0x81] =	vst.msk $0xffff, v0  }
0x41: {  	v2 =	vld [tilespmem:s14+$0x20];
	[tilespmem:s16+$0x810 ss:$0x81] =	vst.msk $0xffff, v1  }
0x42: {  	s13 =	sshrl.u32 s13, $0x2;
	v0 =	vld [tilespmem:s14+$0xFFFFFFC0];
	[tilespmem:s16+$0x1020 ss:$0x81] =	vst.msk $0xffff, v5;
	s14 =	sadd.s32 $0x80, s14  }
0x43: {  	s17 =	simm.s32 $0x4;
	s18 =	simm.s32 $0x8;
	s13 =	sor.u32 $0x8000, s13;
	[tilespmem:s16+$0x1830 ss:$0x81] =	vst.msk $0xffff, v6;
	v1 =	vld [tilespmem:s14+$0x30]  }
.LBB1_3:
0x44: {  	p1 =	sne.s32 s18, $0x1FC;
	v5 =	vld [tilespmem:s14+$0xFFFFFFD0];
	[tilespmem:s16+$0x2040 ss:$0x81] =	vst.msk $0xffff, v3  }
0x45: {  	v6 =	vld [tilespmem:s14+$0xFFFFFFE0];
	[tilespmem:s16+$0x2850 ss:$0x81] =	vst.msk $0xffff, v4  }
0x46: {  	s19 =	sshra.s32 s17, $0x2;
	s17 =	smov.u32 s18;
	v7 =	vld [tilespmem:s14+$0xFFFFFFF0];
	[tilespmem:s16+$0x3060 ss:$0x81] =	vst.msk $0xffff, v2  }
.Ltmp3:
0x47: {  	v3 =	vld [tilespmem:s14+$0x0];
	[tilespmem:s16+$0x0 ss:$0x81] =	vst.msk $0xffff, v0;
	s16 =	sadd.s32 s19, s15;
	(pc) =	sbr.rel @p1 .LBB1_3-.Ltmp3, $4  }
0x48: {  	v4 =	vld [tilespmem:s14+$0x10];
	[tilespmem:s16+$0x3870 ss:$0x81] =	vst.msk $0xffff, v1  }
0x49: {  	[tilespmem:s16+$0x810 ss:$0x81] =	vst.msk $0xffff, v5;
	v2 =	vld [tilespmem:s14+$0x20]  }
0x4a: {  	v0 =	vld [tilespmem:s14+$0xFFFFFFC0];
	[tilespmem:s16+$0x1020 ss:$0x81] =	vst.msk $0xffff, v6;
	s14 =	sadd.s32 $0x80, s14  }
0x4b: {  	s18 =	sadd.s32 $0x4, s18;
	v1 =	vld [tilespmem:s14+$0x30];
	[tilespmem:s16+$0x1830 ss:$0x81] =	vst.msk $0xffff, v7  }
.Ltmp4:
0x4c: {  	_ = 	snop;
	(pc) =	sbr.rel .LBB1_4-.Ltmp4, $1  }
0x4d: {  	_ =	sdelay $0x3  }
.LBB1_6:
0x4e: {  	_ =	sfence.sel $0x180000  }
0x4f: {  	s2 =	simm.s32 $0x1;
	[bflag:$0x0] =	sbarrier.arrive $0xFFFF  }
0x50: {  	s31 =	simm.s32 $0x2;
	[sflag:s2] =	ssyncpa.u1 $0x1  }
0x51: {  	[sflag:s31] =	ssyncpa.u1 $0x1  }
0x52: {  	p0 =	sne.s32 s0, $0x0;
	_ =	strace $0x9000004A  }
0x53: {  	s0 =	sadd.s32 @!p0 $0x100000, s1;
	[bflag:$0x2] =	sbarrier.arrive $0xFFFF  }
0x54: {  	[sflag:s0] =	ssyncadd.tile.s32 @!p0 $0x1;
	_ =	shalt  }
.Lfunc_end1:
_tile_overlayer_lowered:
.L_overlay_start_2:
0x55: {  	(tag) =	ssettag $0x2  }
0x56: {  	s0 =	rddreg [dreg:$0x0];
	s2 =	stileid.u32  }
0x57: {  	s1 =	rddreg [dreg:$0x1];
	p0 =	sne.s32 s2, $0x0  }
0x58: {  	s3 =	rddreg [dreg:$0x2];
	[bflag:$0x3] =	sbarrier.arrive $0xFFFF;
	s2 =	simm.s32 @!p0 $0x1C01  }
0x59: {  	[timem:s3], [sflag:s2] =	dma.local @!p0 [hbm:s0], s1  }
0x5a: {  	s0 =	simm.s32 @!p0 $0x1  }
0x5b: {  	_ =	swait.ge @!p0 [sflag:s0], s1  }
0x5c: {  	s1 =	ssub.s32 @!p0 $0x0, s1;
	[sflag:s0] =	ssyncset.done @!p0 $0x0  }
0x5d: {  	[sflag:s0] =	ssyncadd.s32 @!p0 s1  }
0x5e: {  	[bflag:$0x3] =	sbarrier.arrive $0xFFFF  }
0x5f: {  	_ =	shalt  }

</sc_bundles>
